<compile_context>
chip_gen: v7x
topology: tpu7x:2x2x1
jax: 0.10.2.dev20260603
libtpu: 0.0.44.dev20260713+nightly
codegen_flags: <defaults>
</compile_context>

<pallas_src>
import functools

import jax
import jax.numpy as jnp
from jax import lax
from jax.experimental import pallas as pl
from jax.experimental.pallas import tpu as pltpu
from jax.experimental.pallas import tpu_sc as plsc

D = 128
NC, NS = 2, 16
NW = NC * NS
CHUNK = 128
R = 1280
FRAC0 = 0.5


def _dense_body(x_ref, w_ref, b_ref, d0_ref, d1_ref, hs_ref, dinv_ref, si_ref):
    h = jnp.dot(x_ref[...], w_ref[...], preferred_element_type=jnp.float32)
    deg = d0_ref[...] + d1_ref[...] + 1.0
    dinv = lax.rsqrt(jnp.maximum(deg, 1.0))
    hs_ref[...] = h * dinv
    dinv_ref[...] = dinv
    si_ref[...] = h * (dinv * dinv) + b_ref[...]


def _final_body(a0_ref, a1_ref, dinv_ref, si_ref, out_ref):
    out_ref[...] = dinv_ref[...] * (a0_ref[...] + a1_ref[...]) + si_ref[...]


def _unpack_chunk(packed_v, j, sidx_v, didx_v, p):

    def ub(k, _):
        v = packed_v[j, pl.ds(k * 16, 16)]
        if sidx_v is not None:
            sidx_v[p, pl.ds(k * 16, 16)] = v & 0xFFFF
        didx_v[p, pl.ds(k * 16, 16)] = lax.shift_right_logical(v, 16)
        return 0

    lax.fori_loop(0, CHUNK // 16, ub, 0)


def _make_deg_body(ct0, ct1):
    def _deg_body(packed_hbm, ones_hbm, deg_out,
                  packed_v, didx_v, ones_v, z_v, deg_sh):
        c = lax.axis_index("c")
        s = lax.axis_index("s")
        wid = s * NC + c
        myct = jnp.where(c == 0, ct0, ct1)
        n_pad = deg_sh.shape[0]
        sl = n_pad // NS
        z16 = jnp.zeros((16,), jnp.float32)

        def zero_body(i, _):
            z_v[pl.ds(i * 16, 16)] = z16
            return 0

        lax.fori_loop(0, sl // 16, zero_body, 0)
        pltpu.sync_copy(z_v, deg_sh.at[pl.ds(s * sl, sl)])
        plsc.subcore_barrier()

        pltpu.sync_copy(ones_hbm, ones_v)
        pltpu.sync_copy(packed_hbm.at[wid], packed_v)

        def add_body(j, _):
            _unpack_chunk(packed_v, j, None, didx_v, 0)
            pltpu.sync_copy(ones_v, deg_sh.at[didx_v.at[0]], add=True)
            return 0

        lax.fori_loop(0, myct, add_body, 0)
        plsc.subcore_barrier()
        pltpu.sync_copy(deg_sh.at[pl.ds(s * sl, sl)], deg_out.at[c, s])

    return _deg_body


def _make_msg_body(ct0, ct1):
    def _msg_body(hs_hbm, packed_hbm, acc_out,
                  packed_v, sidx_v, didx_v, rows0_v, rows1_v, acc_sh,
                  sem0, sem1):
        c = lax.axis_index("c")
        s = lax.axis_index("s")
        wid = s * NC + c
        myct = jnp.where(c == 0, ct0, ct1)
        n_pad = acc_sh.shape[0]
        rl = n_pad // NS
        z16 = jnp.zeros((16,), jnp.float32)

        def zrow_body(i, _):
            for k in range(D // 16):
                rows0_v[i, pl.ds(k * 16, 16)] = z16
            return 0

        lax.fori_loop(0, CHUNK, zrow_body, 0)

        def zcopy_body(q, _):
            pltpu.sync_copy(rows0_v, acc_sh.at[pl.ds(s * rl + q * CHUNK, CHUNK)])
            return 0

        lax.fori_loop(0, rl // CHUNK, zcopy_body, 0)
        plsc.subcore_barrier()

        pltpu.sync_copy(packed_hbm.at[wid], packed_v)

        def gather(p, buf, sem):
            pltpu.async_copy(hs_hbm.at[sidx_v.at[p]], buf, sem)

        def gwait(p, buf, sem):
            pltpu.make_async_copy(hs_hbm.at[sidx_v.at[p]], buf, sem).wait()

        def scatter(p, buf):
            pltpu.sync_copy(buf, acc_sh.at[didx_v.at[p]], add=True)

        _unpack_chunk(packed_v, 0, sidx_v, didx_v, 0)
        gather(0, rows0_v, sem0)

        def edge_body(q, _):
            j1 = 2 * q + 1
            _unpack_chunk(packed_v, j1, sidx_v, didx_v, 1)
            gwait(0, rows0_v, sem0)
            gather(1, rows1_v, sem1)
            scatter(0, rows0_v)

            @pl.when(j1 + 1 < myct)
            def _():
                _unpack_chunk(packed_v, j1 + 1, sidx_v, didx_v, 0)

            gwait(1, rows1_v, sem1)

            @pl.when(j1 + 1 < myct)
            def _():
                gather(0, rows0_v, sem0)

            scatter(1, rows1_v)
            return 0

        lax.fori_loop(0, myct // 2, edge_body, 0)

        @pl.when(myct % 2 == 1)
        def _():
            gwait(0, rows0_v, sem0)
            scatter(0, rows0_v)

        plsc.subcore_barrier()
        pltpu.sync_copy(acc_sh.at[pl.ds(s * rl, rl)], acc_out.at[c, s])

    return _msg_body


def kernel(x, edge_index, W, b):
    n = x.shape[0]
    e = edge_index.shape[1]
    n_pad = -(-(n + 1) // R) * R
    sl = n_pad // NS
    cpt = -(-e // (CHUNK * NS))
    ct0 = min(max(1, round(cpt * FRAC0)), cpt - 1)
    ct1 = cpt - ct0
    ct_max = max(ct0, ct1)
    trash = n
    grid = n_pad // R

    src = edge_index[0].astype(jnp.int32)
    dst = edge_index[1].astype(jnp.int32)
    e_slots = cpt * NS * CHUNK
    pad = e_slots - e
    trash_packed = trash << 16
    src_p = jnp.concatenate([src, jnp.zeros((pad,), jnp.int32)])
    dst_p = jnp.concatenate([dst, jnp.full((pad,), trash, jnp.int32)])
    packed_flat = src_p | (dst_p << 16)
    blocks = []
    off = 0
    for w in range(NW):
        cw = ct0 if w % 2 == 0 else ct1
        blk = packed_flat[off * CHUNK:(off + cw) * CHUNK].reshape(cw, CHUNK)
        off += cw
        if cw < ct_max:
            blk = jnp.pad(blk, ((0, ct_max - cw), (0, 0)),
                          constant_values=trash_packed)
        blocks.append(blk)
    packed = jnp.stack(blocks)

    x_pad = jnp.pad(x, ((0, n_pad - n), (0, 0)))
    ones = jnp.ones((CHUNK,), jnp.float32)
    b2 = b.reshape(1, D).astype(jnp.float32)

    mesh = plsc.VectorSubcoreMesh(core_axis_name="c", subcore_axis_name="s",
                                  num_cores=NC, num_subcores=NS)

    deg_kernel = functools.partial(
        pl.kernel,
        out_type=jax.ShapeDtypeStruct((NC, NS, sl), jnp.float32),
        mesh=mesh,
        scratch_types=[
            pltpu.VMEM((ct_max, CHUNK), jnp.int32),
            pltpu.VMEM((1, CHUNK), jnp.int32),
            pltpu.VMEM((CHUNK,), jnp.float32),
            pltpu.VMEM((sl,), jnp.float32),
            pltpu.VMEM_SHARED((n_pad,), jnp.float32),
        ],
    )(_make_deg_body(ct0, ct1))
    deg_p = deg_kernel(packed, ones).reshape(NC, n_pad)

    deg0 = deg_p[0].reshape(n_pad, 1)
    deg1 = deg_p[1].reshape(n_pad, 1)

    hs, dinv, selfinit = pl.pallas_call(
        _dense_body,
        grid=(grid,),
        in_specs=[
            pl.BlockSpec((R, D), lambda i: (i, 0)),
            pl.BlockSpec((D, D), lambda i: (0, 0)),
            pl.BlockSpec((1, D), lambda i: (0, 0)),
            pl.BlockSpec((R, 1), lambda i: (i, 0)),
            pl.BlockSpec((R, 1), lambda i: (i, 0)),
        ],
        out_specs=[
            pl.BlockSpec((R, D), lambda i: (i, 0)),
            pl.BlockSpec((R, 1), lambda i: (i, 0)),
            pl.BlockSpec((R, D), lambda i: (i, 0)),
        ],
        out_shape=[
            jax.ShapeDtypeStruct((n_pad, D), jnp.float32),
            jax.ShapeDtypeStruct((n_pad, 1), jnp.float32),
            jax.ShapeDtypeStruct((n_pad, D), jnp.float32),
        ],
    )(x_pad, W.astype(jnp.float32), b2, deg0, deg1)

    msg_kernel = functools.partial(
        pl.kernel,
        out_type=jax.ShapeDtypeStruct((NC, NS, sl, D), jnp.float32),
        mesh=mesh,
        scratch_types=[
            pltpu.VMEM((ct_max, CHUNK), jnp.int32),
            pltpu.VMEM((2, CHUNK), jnp.int32),
            pltpu.VMEM((2, CHUNK), jnp.int32),
            pltpu.VMEM((CHUNK, D), jnp.float32),
            pltpu.VMEM((CHUNK, D), jnp.float32),
            pltpu.VMEM_SHARED((n_pad, D), jnp.float32),
            pltpu.SemaphoreType.DMA,
            pltpu.SemaphoreType.DMA,
        ],
    )(_make_msg_body(ct0, ct1))
    acc_p = msg_kernel(hs, packed).reshape(NC, n_pad, D)

    out = pl.pallas_call(
        _final_body,
        grid=(grid,),
        in_specs=[
            pl.BlockSpec((R, D), lambda i: (i, 0)),
            pl.BlockSpec((R, D), lambda i: (i, 0)),
            pl.BlockSpec((R, 1), lambda i: (i, 0)),
            pl.BlockSpec((R, D), lambda i: (i, 0)),
        ],
        out_specs=pl.BlockSpec((R, D), lambda i: (i, 0)),
        out_shape=jax.ShapeDtypeStruct((n_pad, D), jnp.float32),
    )(acc_p[0], acc_p[1], dinv, selfinit)

    return out[:n]

# --- scband reference (transcript-rebuilt; emitter-appended) ---
"""Pipeline reference for scband-gcnmodel-72378788872613 (READ-ONLY COPY).

The authoritative reference and input builder live on the scoring server;
editing this copy changes nothing except your own understanding.
"""

import jax, jax.numpy as jnp
import numpy as np

N = 10000
D_IN = 128
D_OUT = 128
E = 320000


def setup_inputs(seed: int = 0) -> dict:
    key = jax.random.key(seed)
    k1, k2, k3 = jax.random.split(key, 3)
    x = jax.random.normal(k1, (N, D_IN), dtype=jnp.float32)
    edge_index = jax.random.randint(k2, (2, E), 0, N)
    W = jax.random.normal(k3, (D_IN, D_OUT), dtype=jnp.float32) * (1.0 / np.sqrt(D_IN))
    b = jnp.zeros((D_OUT,), dtype=jnp.float32)
    return {"x": x, "edge_index": edge_index, "W": W, "b": b}


def reference(x, edge_index, W, b):
    # GCNConv with symmetric normalization and self-loops (PyG default semantics)
    n = x.shape[0]
    src = edge_index[0]
    dst = edge_index[1]
    loop = jnp.arange(n, dtype=src.dtype)
    src = jnp.concatenate([src, loop], axis=0)
    dst = jnp.concatenate([dst, loop], axis=0)
    # linear transform first (x @ W), then propagate
    h = x @ W
    ones = jnp.ones(src.shape[0], dtype=x.dtype)
    deg = jax.ops.segment_sum(ones, dst, num_segments=n)
    dinv = jax.lax.rsqrt(jnp.maximum(deg, 1.0))
    norm = dinv[src] * dinv[dst]
    msg = jnp.take(h, src, axis=0) * norm[:, None]
    out = jax.ops.segment_sum(msg, dst, num_segments=n)
    return out + b

if __name__ == "__main__":
    import jax
    _d = setup_inputs()
    print(jax.jit(kernel)(*tuple(_d.values())))

</pallas_src>

<mosaic_0001>
#map = affine_map<(d0, d1) -> (0, 0, 0)>
#map1 = affine_map<(d0, d1) -> (0)>
module attributes {stable_mosaic.version = 14 : i64} {
  func.func @_deg_body(%arg0: i32, %arg1: i32, %arg2: memref<32x79x128xi32, #tpu.memory_space<hbm>>, %arg3: memref<128xf32, #tpu.memory_space<hbm>>, %arg4: memref<2x16x640xf32, #tpu.memory_space<hbm>>, %arg5: memref<79x128xi32, #tpu.memory_space<vmem>>, %arg6: memref<1x128xi32, #tpu.memory_space<vmem>>, %arg7: memref<128xf32, #tpu.memory_space<vmem>>, %arg8: memref<640xf32, #tpu.memory_space<vmem>>, %arg9: memref<10240xf32, #tpu.memory_space<vmem_shared>>) attributes {dimension_semantics = [#tpu.dimension_semantics<core_parallel>, #tpu.dimension_semantics<subcore_parallel>], iteration_bounds = array<i64: 2, 16>, scalar_prefetch = 0 : i64, scratch_operands = 5 : i64, tpu.core_type = #tpu.core_type<sc_vector_subcore>, window_params = [{transform_indices = #map}, {transform_indices = #map1}, {transform_indices = #map}]} {
    %mul3A = arith.constant 2 : i32
    %mul3A_0 = arith.muli %arg1, %mul3A : i32
    %add3A = arith.addi %mul3A_0, %arg0 : i32
    %eq3A = arith.constant 0 : i32
    %eq3A_1 = arith.cmpi eq, %arg0, %eq3A : i32
    %jit3A = arith.constant 78 : i32
    %jit3A_2 = arith.constant 79 : i32
    %select_n3A = arith.select %eq3A_1, %jit3A, %jit3A_2 : i32
    %broadcast_in_dim3A = arith.constant 0.000000e+00 : f32
    %broadcast_in_dim3A_3 = vector.broadcast %broadcast_in_dim3A : f32 to vector<16xf32>
    %scan3A = arith.constant 0 : i32
    %scan3A_4 = arith.constant 0 : i32
    %scan3A_5 = arith.constant 40 : i32
    %scan3A_6 = arith.addi %scan3A_4, %scan3A_5 : i32
    %scan3A_7 = arith.constant 1 : i32
    %scan3A_8 = scf.for %scan3A_26 = %scan3A_4 to %scan3A_6 step %scan3A_7 iter_args(%scan3A_27 = %scan3A) -> (i32)  : i32 {
      %mul3A_28 = arith.constant 16 : i32
      %mul3A_29 = arith.muli %scan3A_26, %mul3A_28 : i32
      %swap3A = arith.index_cast %mul3A_29 : i32 to index
      %swap3A_30 = tpu.vector_load %arg8[%swap3A] {strides = array<i32>} : memref<640xf32, #tpu.memory_space<vmem>>, vector<16xf32>,
      %swap3A_31 = vector.shape_cast %swap3A_30 : vector<16xf32> to vector<16xf32>
      %swap3A_32 = vector.shape_cast %broadcast_in_dim3A_3 : vector<16xf32> to vector<16xf32>
      tpu.vector_store %arg8[%swap3A], %swap3A_32 {strides = array<i32>} : memref<640xf32, #tpu.memory_space<vmem>>, vector<16xf32>,
      %scan3A_33 = arith.constant 0 : i32
      scf.yield %scan3A_33 : i32
    }
    %scan3A_9 = arith.constant 40 : i32
    %mul3A_10 = arith.constant 640 : i32
    %mul3A_11 = arith.muli %arg1, %mul3A_10 : i32
    "tpu.region"() ({
      %run_scoped3A = tpu.sem_alloc : memref<!tpu.dma_semaphore, #tpu.memory_space<semaphore_mem>>
      %dma_start3A = tpu.memref_slice %arg9[%mul3A_11] : memref<10240xf32, #tpu.memory_space<vmem_shared>> -> memref<640xf32, #tpu.memory_space<vmem_shared>>
      %dma_start3A_26 = tpu.memref_slice %arg9[%mul3A_11] : memref<10240xf32, #tpu.memory_space<vmem_shared>> -> memref<640xf32, #tpu.memory_space<vmem_shared>>
      tpu.enqueue_dma source(%arg8 : memref<640xf32, #tpu.memory_space<vmem>>) target(%dma_start3A_26 : memref<640xf32, #tpu.memory_space<vmem_shared>>) target_semaphore(%run_scoped3A : memref<!tpu.dma_semaphore, #tpu.memory_space<semaphore_mem>>)
      %dma_wait3A = tpu.memref_slice %arg9[%mul3A_11] : memref<10240xf32, #tpu.memory_space<vmem_shared>> -> memref<640xf32, #tpu.memory_space<vmem_shared>>
      %dma_wait3A_27 = tpu.memref_slice %arg9[%mul3A_11] : memref<10240xf32, #tpu.memory_space<vmem_shared>> -> memref<640xf32, #tpu.memory_space<vmem_shared>>
      tpu.wait_dma2 semaphore(%run_scoped3A : memref<!tpu.dma_semaphore, #tpu.memory_space<semaphore_mem>>) src(%arg8 : memref<640xf32, #tpu.memory_space<vmem>>) dst(%dma_wait3A_27 : memref<640xf32, #tpu.memory_space<vmem_shared>>)
      tpu.yield
    }) : () -> ()
    %barrier3A = arith.constant 0 : index
    tpu.barrier barrier_id(%barrier3A)
    "tpu.region"() ({
      %run_scoped3A = tpu.sem_alloc : memref<!tpu.dma_semaphore, #tpu.memory_space<semaphore_mem>>
      tpu.enqueue_dma source(%arg3 : memref<128xf32, #tpu.memory_space<hbm>>) target(%arg7 : memref<128xf32, #tpu.memory_space<vmem>>) target_semaphore(%run_scoped3A : memref<!tpu.dma_semaphore, #tpu.memory_space<semaphore_mem>>)
      tpu.wait_dma2 semaphore(%run_scoped3A : memref<!tpu.dma_semaphore, #tpu.memory_space<semaphore_mem>>) src(%arg3 : memref<128xf32, #tpu.memory_space<hbm>>) dst(%arg7 : memref<128xf32, #tpu.memory_space<vmem>>)
      tpu.yield
    }) : () -> ()
    "tpu.region"() ({
      %run_scoped3A = tpu.sem_alloc : memref<!tpu.dma_semaphore, #tpu.memory_space<semaphore_mem>>
      %dma_start3A = arith.constant 0 : i32
      %dma_start3A_26 = arith.constant 0 : i32
      %dma_start3A_27 = tpu.memref_slice %arg2[%add3A, %dma_start3A, %dma_start3A_26] : memref<32x79x128xi32, #tpu.memory_space<hbm>> -> memref<1x79x128xi32, #tpu.memory_space<hbm>>
      %dma_start3A_28 = tpu.memref_squeeze %dma_start3A_27 : memref<1x79x128xi32, #tpu.memory_space<hbm>> -> memref<79x128xi32, #tpu.memory_space<hbm>>
      %dma_start3A_29 = arith.constant 0 : i32
      %dma_start3A_30 = arith.constant 0 : i32
      %dma_start3A_31 = tpu.memref_slice %arg2[%add3A, %dma_start3A_29, %dma_start3A_30] : memref<32x79x128xi32, #tpu.memory_space<hbm>> -> memref<1x79x128xi32, #tpu.memory_space<hbm>>
      %dma_start3A_32 = tpu.memref_squeeze %dma_start3A_31 : memref<1x79x128xi32, #tpu.memory_space<hbm>> -> memref<79x128xi32, #tpu.memory_space<hbm>>
      tpu.enqueue_dma source(%dma_start3A_32 : memref<79x128xi32, #tpu.memory_space<hbm>>) target(%arg5 : memref<79x128xi32, #tpu.memory_space<vmem>>) target_semaphore(%run_scoped3A : memref<!tpu.dma_semaphore, #tpu.memory_space<semaphore_mem>>)
      %dma_wait3A = arith.constant 0 : i32
      %dma_wait3A_33 = arith.constant 0 : i32
      %dma_wait3A_34 = tpu.memref_slice %arg2[%add3A, %dma_wait3A, %dma_wait3A_33] : memref<32x79x128xi32, #tpu.memory_space<hbm>> -> memref<1x79x128xi32, #tpu.memory_space<hbm>>
      %dma_wait3A_35 = tpu.memref_squeeze %dma_wait3A_34 : memref<1x79x128xi32, #tpu.memory_space<hbm>> -> memref<79x128xi32, #tpu.memory_space<hbm>>
      %dma_wait3A_36 = arith.constant 0 : i32
      %dma_wait3A_37 = arith.constant 0 : i32
      %dma_wait3A_38 = tpu.memref_slice %arg2[%add3A, %dma_wait3A_36, %dma_wait3A_37] : memref<32x79x128xi32, #tpu.memory_space<hbm>> -> memref<1x79x128xi32, #tpu.memory_space<hbm>>
      %dma_wait3A_39 = tpu.memref_squeeze %dma_wait3A_38 : memref<1x79x128xi32, #tpu.memory_space<hbm>> -> memref<79x128xi32, #tpu.memory_space<hbm>>
      tpu.wait_dma2 semaphore(%run_scoped3A : memref<!tpu.dma_semaphore, #tpu.memory_space<semaphore_mem>>) src(%dma_wait3A_39 : memref<79x128xi32, #tpu.memory_space<hbm>>) dst(%arg5 : memref<79x128xi32, #tpu.memory_space<vmem>>)
      tpu.yield
    }) : () -> ()
    %while3A = arith.constant 0 : i32
    %while3A_12 = arith.constant 0 : i32
    %while3A_13 = arith.subi %select_n3A, %while3A : i32
    %while3A_14 = arith.addi %while3A, %while3A_13 : i32
    %while3A_15 = arith.constant 1 : i32
    %while3A_16 = arith.divsi %while3A_13, %while3A_15 : i32
    %while3A_17 = arith.muli %while3A_16, %while3A_15 : i32
    %while3A_18 = arith.addi %while3A, %while3A_17 : i32
    %while3A_19 = arith.constant 1 : i32
    %while3A_20 = scf.for %while3A_26 = %while3A to %while3A_18 step %while3A_19 iter_args(%while3A_27 = %while3A_12) -> (i32)  : i32 {
      %scan3A_28 = arith.constant 0 : i32
      %scan3A_29 = arith.constant 0 : i32
      %scan3A_30 = arith.constant 8 : i32
      %scan3A_31 = arith.addi %scan3A_29, %scan3A_30 : i32
      %scan3A_32 = arith.constant 1 : i32
      %scan3A_33 = scf.for %scan3A_36 = %scan3A_29 to %scan3A_31 step %scan3A_32 iter_args(%scan3A_37 = %scan3A_28) -> (i32)  : i32 {
        %mul3A_38 = arith.constant 16 : i32
        %mul3A_39 = arith.muli %scan3A_36, %mul3A_38 : i32
        %get3A = arith.index_cast %while3A_26 : i32 to index
        %get3A_40 = arith.index_cast %mul3A_39 : i32 to index
        %get3A_41 = tpu.vector_load %arg5[%get3A, %get3A_40] {strides = array<i32>} : memref<79x128xi32, #tpu.memory_space<vmem>>, vector<1x16xi32>,
        %get3A_42 = vector.shape_cast %get3A_41 : vector<1x16xi32> to vector<16xi32>
        %shift_right_logical3A = arith.constant 16 : i32
        %shift_right_logical3A_43 = vector.broadcast %shift_right_logical3A : i32 to vector<16xi32>
        %shift_right_logical3A_44 = arith.shrui %get3A_42, %shift_right_logical3A_43 : vector<16xi32>
        %mul3A_45 = arith.constant 16 : i32
        %mul3A_46 = arith.muli %scan3A_36, %mul3A_45 : i32
        %swap3A = arith.constant 0 : i32
        %swap3A_47 = arith.index_cast %swap3A : i32 to index
        %swap3A_48 = arith.index_cast %mul3A_46 : i32 to index
        %swap3A_49 = tpu.vector_load %arg6[%swap3A_47, %swap3A_48] {strides = array<i32>} : memref<1x128xi32, #tpu.memory_space<vmem>>, vector<1x16xi32>,
        %swap3A_50 = vector.shape_cast %swap3A_49 : vector<1x16xi32> to vector<16xi32>
        %swap3A_51 = vector.shape_cast %shift_right_logical3A_44 : vector<16xi32> to vector<1x16xi32>
        tpu.vector_store %arg6[%swap3A_47, %swap3A_48], %swap3A_51 {strides = array<i32>} : memref<1x128xi32, #tpu.memory_space<vmem>>, vector<1x16xi32>,
        %scan3A_52 = arith.constant 0 : i32
        scf.yield %scan3A_52 : i32
      }
      %scan3A_34 = arith.constant 8 : i32
      %run_scoped3A = arith.constant 0 : i32
      "tpu.region"() ({
        %run_scoped3A_36 = tpu.sem_alloc : memref<!tpu.dma_semaphore, #tpu.memory_space<semaphore_mem>>
        %dma_start3A = arith.constant 0 : i32
        %dma_start3A_37 = tpu.memref_slice %arg6[%run_scoped3A, %dma_start3A] : memref<1x128xi32, #tpu.memory_space<vmem>> -> memref<1x128xi32, #tpu.memory_space<vmem>>
        %dma_start3A_38 = tpu.memref_squeeze %dma_start3A_37 : memref<1x128xi32, #tpu.memory_space<vmem>> -> memref<128xi32, #tpu.memory_space<vmem>>
        %dma_start3A_39 = arith.constant 0 : i32
        %dma_start3A_40 = tpu.memref_slice %arg9[%dma_start3A_39] : memref<10240xf32, #tpu.memory_space<vmem_shared>> -> memref<10240xf32, #tpu.memory_space<vmem_shared>>
        tpu.enqueue_indirect_dma source(%arg7 : memref<128xf32, #tpu.memory_space<vmem>>) target(%dma_start3A_40 : memref<10240xf32, #tpu.memory_space<vmem_shared>>) offsets(%dma_start3A_38 : memref<128xi32, #tpu.memory_space<vmem>>) semaphore(%run_scoped3A_36 : memref<!tpu.dma_semaphore, #tpu.memory_space<semaphore_mem>>) {add = true}
        %dma_wait3A = arith.constant 0 : i32
        %dma_wait3A_41 = tpu.memref_slice %arg6[%run_scoped3A, %dma_wait3A] : memref<1x128xi32, #tpu.memory_space<vmem>> -> memref<1x128xi32, #tpu.memory_space<vmem>>
        %dma_wait3A_42 = tpu.memref_squeeze %dma_wait3A_41 : memref<1x128xi32, #tpu.memory_space<vmem>> -> memref<128xi32, #tpu.memory_space<vmem>>
        %dma_wait3A_43 = arith.constant 0 : i32
        %dma_wait3A_44 = tpu.memref_slice %arg9[%dma_wait3A_43] : memref<10240xf32, #tpu.memory_space<vmem_shared>> -> memref<10240xf32, #tpu.memory_space<vmem_shared>>
        tpu.wait_indirect_dma semaphore(%run_scoped3A_36 : memref<!tpu.dma_semaphore, #tpu.memory_space<semaphore_mem>>) src(%arg7 : memref<128xf32, #tpu.memory_space<vmem>>) dst(%dma_wait3A_44 : memref<10240xf32, #tpu.memory_space<vmem_shared>>)
        tpu.yield
      }) : () -> ()
      %while3A_35 = arith.constant 0 : i32
      scf.yield %while3A_35 : i32
    }
    %while3A_21 = arith.constant 1 : i32
    %while3A_22 = scf.for %while3A_26 = %while3A_18 to %while3A_14 step %while3A_21 iter_args(%while3A_27 = %while3A_20) -> (i32)  : i32 {
      %scan3A_28 = arith.constant 0 : i32
      %scan3A_29 = arith.constant 0 : i32
      %scan3A_30 = arith.constant 8 : i32
      %scan3A_31 = arith.addi %scan3A_29, %scan3A_30 : i32
      %scan3A_32 = arith.constant 1 : i32
      %scan3A_33 = scf.for %scan3A_36 = %scan3A_29 to %scan3A_31 step %scan3A_32 iter_args(%scan3A_37 = %scan3A_28) -> (i32)  : i32 {
        %mul3A_38 = arith.constant 16 : i32
        %mul3A_39 = arith.muli %scan3A_36, %mul3A_38 : i32
        %get3A = arith.index_cast %while3A_26 : i32 to index
        %get3A_40 = arith.index_cast %mul3A_39 : i32 to index
        %get3A_41 = tpu.vector_load %arg5[%get3A, %get3A_40] {strides = array<i32>} : memref<79x128xi32, #tpu.memory_space<vmem>>, vector<1x16xi32>,
        %get3A_42 = vector.shape_cast %get3A_41 : vector<1x16xi32> to vector<16xi32>
        %shift_right_logical3A = arith.constant 16 : i32
        %shift_right_logical3A_43 = vector.broadcast %shift_right_logical3A : i32 to vector<16xi32>
        %shift_right_logical3A_44 = arith.shrui %get3A_42, %shift_right_logical3A_43 : vector<16xi32>
        %mul3A_45 = arith.constant 16 : i32
        %mul3A_46 = arith.muli %scan3A_36, %mul3A_45 : i32
        %swap3A = arith.constant 0 : i32
        %swap3A_47 = arith.index_cast %swap3A : i32 to index
        %swap3A_48 = arith.index_cast %mul3A_46 : i32 to index
        %swap3A_49 = tpu.vector_load %arg6[%swap3A_47, %swap3A_48] {strides = array<i32>} : memref<1x128xi32, #tpu.memory_space<vmem>>, vector<1x16xi32>,
        %swap3A_50 = vector.shape_cast %swap3A_49 : vector<1x16xi32> to vector<16xi32>
        %swap3A_51 = vector.shape_cast %shift_right_logical3A_44 : vector<16xi32> to vector<1x16xi32>
        tpu.vector_store %arg6[%swap3A_47, %swap3A_48], %swap3A_51 {strides = array<i32>} : memref<1x128xi32, #tpu.memory_space<vmem>>, vector<1x16xi32>,
        %scan3A_52 = arith.constant 0 : i32
        scf.yield %scan3A_52 : i32
      }
      %scan3A_34 = arith.constant 8 : i32
      %run_scoped3A = arith.constant 0 : i32
      "tpu.region"() ({
        %run_scoped3A_36 = tpu.sem_alloc : memref<!tpu.dma_semaphore, #tpu.memory_space<semaphore_mem>>
        %dma_start3A = arith.constant 0 : i32
        %dma_start3A_37 = tpu.memref_slice %arg6[%run_scoped3A, %dma_start3A] : memref<1x128xi32, #tpu.memory_space<vmem>> -> memref<1x128xi32, #tpu.memory_space<vmem>>
        %dma_start3A_38 = tpu.memref_squeeze %dma_start3A_37 : memref<1x128xi32, #tpu.memory_space<vmem>> -> memref<128xi32, #tpu.memory_space<vmem>>
        %dma_start3A_39 = arith.constant 0 : i32
        %dma_start3A_40 = tpu.memref_slice %arg9[%dma_start3A_39] : memref<10240xf32, #tpu.memory_space<vmem_shared>> -> memref<10240xf32, #tpu.memory_space<vmem_shared>>
        tpu.enqueue_indirect_dma source(%arg7 : memref<128xf32, #tpu.memory_space<vmem>>) target(%dma_start3A_40 : memref<10240xf32, #tpu.memory_space<vmem_shared>>) offsets(%dma_start3A_38 : memref<128xi32, #tpu.memory_space<vmem>>) semaphore(%run_scoped3A_36 : memref<!tpu.dma_semaphore, #tpu.memory_space<semaphore_mem>>) {add = true}
        %dma_wait3A = arith.constant 0 : i32
        %dma_wait3A_41 = tpu.memref_slice %arg6[%run_scoped3A, %dma_wait3A] : memref<1x128xi32, #tpu.memory_space<vmem>> -> memref<1x128xi32, #tpu.memory_space<vmem>>
        %dma_wait3A_42 = tpu.memref_squeeze %dma_wait3A_41 : memref<1x128xi32, #tpu.memory_space<vmem>> -> memref<128xi32, #tpu.memory_space<vmem>>
        %dma_wait3A_43 = arith.constant 0 : i32
        %dma_wait3A_44 = tpu.memref_slice %arg9[%dma_wait3A_43] : memref<10240xf32, #tpu.memory_space<vmem_shared>> -> memref<10240xf32, #tpu.memory_space<vmem_shared>>
        tpu.wait_indirect_dma semaphore(%run_scoped3A_36 : memref<!tpu.dma_semaphore, #tpu.memory_space<semaphore_mem>>) src(%arg7 : memref<128xf32, #tpu.memory_space<vmem>>) dst(%dma_wait3A_44 : memref<10240xf32, #tpu.memory_space<vmem_shared>>)
        tpu.yield
      }) : () -> ()
      %while3A_35 = arith.constant 0 : i32
      scf.yield %while3A_35 : i32
    }
    %barrier3A_23 = arith.constant 0 : index
    tpu.barrier barrier_id(%barrier3A_23)
    %mul3A_24 = arith.constant 640 : i32
    %mul3A_25 = arith.muli %arg1, %mul3A_24 : i32
    "tpu.region"() ({
      %run_scoped3A = tpu.sem_alloc : memref<!tpu.dma_semaphore, #tpu.memory_space<semaphore_mem>>
      %dma_start3A = arith.constant 0 : i32
      %dma_start3A_26 = tpu.memref_slice %arg4[%arg0, %arg1, %dma_start3A] : memref<2x16x640xf32, #tpu.memory_space<hbm>> -> memref<1x1x640xf32, #tpu.memory_space<hbm>>
      %dma_start3A_27 = tpu.memref_squeeze %dma_start3A_26 : memref<1x1x640xf32, #tpu.memory_space<hbm>> -> memref<640xf32, #tpu.memory_space<hbm>>
      %dma_start3A_28 = tpu.memref_slice %arg9[%mul3A_25] : memref<10240xf32, #tpu.memory_space<vmem_shared>> -> memref<640xf32, #tpu.memory_space<vmem_shared>>
      tpu.enqueue_dma source(%dma_start3A_28 : memref<640xf32, #tpu.memory_space<vmem_shared>>) target(%dma_start3A_27 : memref<640xf32, #tpu.memory_space<hbm>>) target_semaphore(%run_scoped3A : memref<!tpu.dma_semaphore, #tpu.memory_space<semaphore_mem>>)
      %dma_wait3A = arith.constant 0 : i32
      %dma_wait3A_29 = tpu.memref_slice %arg4[%arg0, %arg1, %dma_wait3A] : memref<2x16x640xf32, #tpu.memory_space<hbm>> -> memref<1x1x640xf32, #tpu.memory_space<hbm>>
      %dma_wait3A_30 = tpu.memref_squeeze %dma_wait3A_29 : memref<1x1x640xf32, #tpu.memory_space<hbm>> -> memref<640xf32, #tpu.memory_space<hbm>>
      %dma_wait3A_31 = tpu.memref_slice %arg9[%mul3A_25] : memref<10240xf32, #tpu.memory_space<vmem_shared>> -> memref<640xf32, #tpu.memory_space<vmem_shared>>
      tpu.wait_dma2 semaphore(%run_scoped3A : memref<!tpu.dma_semaphore, #tpu.memory_space<semaphore_mem>>) src(%dma_wait3A_31 : memref<640xf32, #tpu.memory_space<vmem_shared>>) dst(%dma_wait3A_30 : memref<640xf32, #tpu.memory_space<hbm>>)
      tpu.yield
    }) : () -> ()
    return
  }
}

#map = affine_map<(d0, d1) -> (0, 0)>
#map1 = affine_map<(d0, d1) -> (0, 0, 0)>
#map2 = affine_map<(d0, d1) -> (0, 0, 0, 0)>
module attributes {stable_mosaic.version = 14 : i64} {
  func.func @_msg_body(%arg0: i32, %arg1: i32, %arg2: memref<10240x128xf32, #tpu.memory_space<hbm>>, %arg3: memref<32x79x128xi32, #tpu.memory_space<hbm>>, %arg4: memref<2x16x640x128xf32, #tpu.memory_space<hbm>>, %arg5: memref<79x128xi32, #tpu.memory_space<vmem>>, %arg6: memref<2x128xi32, #tpu.memory_space<vmem>>, %arg7: memref<2x128xi32, #tpu.memory_space<vmem>>, %arg8: memref<128x128xf32, #tpu.memory_space<vmem>>, %arg9: memref<128x128xf32, #tpu.memory_space<vmem>>, %arg10: memref<10240x128xf32, #tpu.memory_space<vmem_shared>>, %arg11: memref<!tpu.dma_semaphore, #tpu.memory_space<semaphore_mem>>, %arg12: memref<!tpu.dma_semaphore, #tpu.memory_space<semaphore_mem>>) attributes {dimension_semantics = [#tpu.dimension_semantics<core_parallel>, #tpu.dimension_semantics<subcore_parallel>], iteration_bounds = array<i64: 2, 16>, scalar_prefetch = 0 : i64, scratch_operands = 8 : i64, tpu.core_type = #tpu.core_type<sc_vector_subcore>, window_params = [{transform_indices = #map}, {transform_indices = #map1}, {transform_indices = #map2}]} {
    %mul3A = arith.constant 2 : i32
    %mul3A_0 = arith.muli %arg1, %mul3A : i32
    %add3A = arith.addi %mul3A_0, %arg0 : i32
    %eq3A = arith.constant 0 : i32
    %eq3A_1 = arith.cmpi eq, %arg0, %eq3A : i32
    %jit3A = arith.constant 78 : i32
    %jit3A_2 = arith.constant 79 : i32
    %select_n3A = arith.select %eq3A_1, %jit3A, %jit3A_2 : i32
    %broadcast_in_dim3A = arith.constant 0.000000e+00 : f32
    %broadcast_in_dim3A_3 = vector.broadcast %broadcast_in_dim3A : f32 to vector<16xf32>
    %scan3A = arith.constant 0 : i32
    %scan3A_4 = arith.constant 0 : i32
    %scan3A_5 = arith.constant 128 : i32
    %scan3A_6 = arith.addi %scan3A_4, %scan3A_5 : i32
    %scan3A_7 = arith.constant 1 : i32
    %scan3A_8 = scf.for %scan3A_80 = %scan3A_4 to %scan3A_6 step %scan3A_7 iter_args(%scan3A_81 = %scan3A) -> (i32)  : i32 {
      %swap3A = arith.index_cast %scan3A_80 : i32 to index
      %swap3A_82 = arith.constant 0 : index
      %swap3A_83 = tpu.vector_load %arg8[%swap3A, %swap3A_82] {strides = array<i32>} : memref<128x128xf32, #tpu.memory_space<vmem>>, vector<1x16xf32>,
      %swap3A_84 = vector.shape_cast %swap3A_83 : vector<1x16xf32> to vector<16xf32>
      %swap3A_85 = vector.shape_cast %broadcast_in_dim3A_3 : vector<16xf32> to vector<1x16xf32>
      tpu.vector_store %arg8[%swap3A, %swap3A_82], %swap3A_85 {strides = array<i32>} : memref<128x128xf32, #tpu.memory_space<vmem>>, vector<1x16xf32>,
      %swap3A_86 = arith.index_cast %scan3A_80 : i32 to index
      %swap3A_87 = arith.constant 16 : index
      %swap3A_88 = tpu.vector_load %arg8[%swap3A_86, %swap3A_87] {strides = array<i32>} : memref<128x128xf32, #tpu.memory_space<vmem>>, vector<1x16xf32>,
      %swap3A_89 = vector.shape_cast %swap3A_88 : vector<1x16xf32> to vector<16xf32>
      %swap3A_90 = vector.shape_cast %broadcast_in_dim3A_3 : vector<16xf32> to vector<1x16xf32>
      tpu.vector_store %arg8[%swap3A_86, %swap3A_87], %swap3A_90 {strides = array<i32>} : memref<128x128xf32, #tpu.memory_space<vmem>>, vector<1x16xf32>,
      %swap3A_91 = arith.index_cast %scan3A_80 : i32 to index
      %swap3A_92 = arith.constant 32 : index
      %swap3A_93 = tpu.vector_load %arg8[%swap3A_91, %swap3A_92] {strides = array<i32>} : memref<128x128xf32, #tpu.memory_space<vmem>>, vector<1x16xf32>,
      %swap3A_94 = vector.shape_cast %swap3A_93 : vector<1x16xf32> to vector<16xf32>
      %swap3A_95 = vector.shape_cast %broadcast_in_dim3A_3 : vector<16xf32> to vector<1x16xf32>
      tpu.vector_store %arg8[%swap3A_91, %swap3A_92], %swap3A_95 {strides = array<i32>} : memref<128x128xf32, #tpu.memory_space<vmem>>, vector<1x16xf32>,
      %swap3A_96 = arith.index_cast %scan3A_80 : i32 to index
      %swap3A_97 = arith.constant 48 : index
      %swap3A_98 = tpu.vector_load %arg8[%swap3A_96, %swap3A_97] {strides = array<i32>} : memref<128x128xf32, #tpu.memory_space<vmem>>, vector<1x16xf32>,
      %swap3A_99 = vector.shape_cast %swap3A_98 : vector<1x16xf32> to vector<16xf32>
      %swap3A_100 = vector.shape_cast %broadcast_in_dim3A_3 : vector<16xf32> to vector<1x16xf32>
      tpu.vector_store %arg8[%swap3A_96, %swap3A_97], %swap3A_100 {strides = array<i32>} : memref<128x128xf32, #tpu.memory_space<vmem>>, vector<1x16xf32>,
      %swap3A_101 = arith.index_cast %scan3A_80 : i32 to index
      %swap3A_102 = arith.constant 64 : index
      %swap3A_103 = tpu.vector_load %arg8[%swap3A_101, %swap3A_102] {strides = array<i32>} : memref<128x128xf32, #tpu.memory_space<vmem>>, vector<1x16xf32>,
      %swap3A_104 = vector.shape_cast %swap3A_103 : vector<1x16xf32> to vector<16xf32>
      %swap3A_105 = vector.shape_cast %broadcast_in_dim3A_3 : vector<16xf32> to vector<1x16xf32>
      tpu.vector_store %arg8[%swap3A_101, %swap3A_102], %swap3A_105 {strides = array<i32>} : memref<128x128xf32, #tpu.memory_space<vmem>>, vector<1x16xf32>,
      %swap3A_106 = arith.index_cast %scan3A_80 : i32 to index
      %swap3A_107 = arith.constant 80 : index
      %swap3A_108 = tpu.vector_load %arg8[%swap3A_106, %swap3A_107] {strides = array<i32>} : memref<128x128xf32, #tpu.memory_space<vmem>>, vector<1x16xf32>,
      %swap3A_109 = vector.shape_cast %swap3A_108 : vector<1x16xf32> to vector<16xf32>
      %swap3A_110 = vector.shape_cast %broadcast_in_dim3A_3 : vector<16xf32> to vector<1x16xf32>
      tpu.vector_store %arg8[%swap3A_106, %swap3A_107], %swap3A_110 {strides = array<i32>} : memref<128x128xf32, #tpu.memory_space<vmem>>, vector<1x16xf32>,
      %swap3A_111 = arith.index_cast %scan3A_80 : i32 to index
      %swap3A_112 = arith.constant 96 : index
      %swap3A_113 = tpu.vector_load %arg8[%swap3A_111, %swap3A_112] {strides = array<i32>} : memref<128x128xf32, #tpu.memory_space<vmem>>, vector<1x16xf32>,
      %swap3A_114 = vector.shape_cast %swap3A_113 : vector<1x16xf32> to vector<16xf32>
      %swap3A_115 = vector.shape_cast %broadcast_in_dim3A_3 : vector<16xf32> to vector<1x16xf32>
      tpu.vector_store %arg8[%swap3A_111, %swap3A_112], %swap3A_115 {strides = array<i32>} : memref<128x128xf32, #tpu.memory_space<vmem>>, vector<1x16xf32>,
      %swap3A_116 = arith.index_cast %scan3A_80 : i32 to index
      %swap3A_117 = arith.constant 112 : index
      %swap3A_118 = tpu.vector_load %arg8[%swap3A_116, %swap3A_117] {strides = array<i32>} : memref<128x128xf32, #tpu.memory_space<vmem>>, vector<1x16xf32>,
      %swap3A_119 = vector.shape_cast %swap3A_118 : vector<1x16xf32> to vector<16xf32>
      %swap3A_120 = vector.shape_cast %broadcast_in_dim3A_3 : vector<16xf32> to vector<1x16xf32>
      tpu.vector_store %arg8[%swap3A_116, %swap3A_117], %swap3A_120 {strides = array<i32>} : memref<128x128xf32, #tpu.memory_space<vmem>>, vector<1x16xf32>,
      %scan3A_121 = arith.constant 0 : i32
      scf.yield %scan3A_121 : i32
    }
    %scan3A_9 = arith.constant 128 : i32
    %scan3A_10 = arith.constant 0 : i32
    %scan3A_11 = arith.constant 0 : i32
    %scan3A_12 = arith.constant 5 : i32
    %scan3A_13 = arith.addi %scan3A_11, %scan3A_12 : i32
    %scan3A_14 = arith.constant 1 : i32
    %scan3A_15 = scf.for %scan3A_80 = %scan3A_11 to %scan3A_13 step %scan3A_14 iter_args(%scan3A_81 = %scan3A_10) -> (i32)  : i32 {
      %mul3A_82 = arith.constant 640 : i32
      %mul3A_83 = arith.muli %arg1, %mul3A_82 : i32
      %mul3A_84 = arith.constant 128 : i32
      %mul3A_85 = arith.muli %scan3A_80, %mul3A_84 : i32
      %add3A_86 = arith.addi %mul3A_83, %mul3A_85 : i32
      "tpu.region"() ({
        %run_scoped3A = tpu.sem_alloc : memref<!tpu.dma_semaphore, #tpu.memory_space<semaphore_mem>>
        %dma_start3A_88 = arith.constant 0 : i32
        %dma_start3A_89 = tpu.memref_slice %arg10[%add3A_86, %dma_start3A_88] : memref<10240x128xf32, #tpu.memory_space<vmem_shared>> -> memref<128x128xf32, #tpu.memory_space<vmem_shared>>
        %dma_start3A_90 = arith.constant 0 : i32
        %dma_start3A_91 = tpu.memref_slice %arg10[%add3A_86, %dma_start3A_90] : memref<10240x128xf32, #tpu.memory_space<vmem_shared>> -> memref<128x128xf32, #tpu.memory_space<vmem_shared>>
        tpu.enqueue_dma source(%arg8 : memref<128x128xf32, #tpu.memory_space<vmem>>) target(%dma_start3A_91 : memref<128x128xf32, #tpu.memory_space<vmem_shared>>) target_semaphore(%run_scoped3A : memref<!tpu.dma_semaphore, #tpu.memory_space<semaphore_mem>>)
        %dma_wait3A = arith.constant 0 : i32
        %dma_wait3A_92 = tpu.memref_slice %arg10[%add3A_86, %dma_wait3A] : memref<10240x128xf32, #tpu.memory_space<vmem_shared>> -> memref<128x128xf32, #tpu.memory_space<vmem_shared>>
        %dma_wait3A_93 = arith.constant 0 : i32
        %dma_wait3A_94 = tpu.memref_slice %arg10[%add3A_86, %dma_wait3A_93] : memref<10240x128xf32, #tpu.memory_space<vmem_shared>> -> memref<128x128xf32, #tpu.memory_space<vmem_shared>>
        tpu.wait_dma2 semaphore(%run_scoped3A : memref<!tpu.dma_semaphore, #tpu.memory_space<semaphore_mem>>) src(%arg8 : memref<128x128xf32, #tpu.memory_space<vmem>>) dst(%dma_wait3A_94 : memref<128x128xf32, #tpu.memory_space<vmem_shared>>)
        tpu.yield
      }) : () -> ()
      %scan3A_87 = arith.constant 0 : i32
      scf.yield %scan3A_87 : i32
    }
    %scan3A_16 = arith.constant 5 : i32
    %barrier3A = arith.constant 0 : index
    tpu.barrier barrier_id(%barrier3A)
    "tpu.region"() ({
      %run_scoped3A = tpu.sem_alloc : memref<!tpu.dma_semaphore, #tpu.memory_space<semaphore_mem>>
      %dma_start3A_80 = arith.constant 0 : i32
      %dma_start3A_81 = arith.constant 0 : i32
      %dma_start3A_82 = tpu.memref_slice %arg3[%add3A, %dma_start3A_80, %dma_start3A_81] : memref<32x79x128xi32, #tpu.memory_space<hbm>> -> memref<1x79x128xi32, #tpu.memory_space<hbm>>
      %dma_start3A_83 = tpu.memref_squeeze %dma_start3A_82 : memref<1x79x128xi32, #tpu.memory_space<hbm>> -> memref<79x128xi32, #tpu.memory_space<hbm>>
      %dma_start3A_84 = arith.constant 0 : i32
      %dma_start3A_85 = arith.constant 0 : i32
      %dma_start3A_86 = tpu.memref_slice %arg3[%add3A, %dma_start3A_84, %dma_start3A_85] : memref<32x79x128xi32, #tpu.memory_space<hbm>> -> memref<1x79x128xi32, #tpu.memory_space<hbm>>
      %dma_start3A_87 = tpu.memref_squeeze %dma_start3A_86 : memref<1x79x128xi32, #tpu.memory_space<hbm>> -> memref<79x128xi32, #tpu.memory_space<hbm>>
      tpu.enqueue_dma source(%dma_start3A_87 : memref<79x128xi32, #tpu.memory_space<hbm>>) target(%arg5 : memref<79x128xi32, #tpu.memory_space<vmem>>) target_semaphore(%run_scoped3A : memref<!tpu.dma_semaphore, #tpu.memory_space<semaphore_mem>>)
      %dma_wait3A = arith.constant 0 : i32
      %dma_wait3A_88 = arith.constant 0 : i32
      %dma_wait3A_89 = tpu.memref_slice %arg3[%add3A, %dma_wait3A, %dma_wait3A_88] : memref<32x79x128xi32, #tpu.memory_space<hbm>> -> memref<1x79x128xi32, #tpu.memory_space<hbm>>
      %dma_wait3A_90 = tpu.memref_squeeze %dma_wait3A_89 : memref<1x79x128xi32, #tpu.memory_space<hbm>> -> memref<79x128xi32, #tpu.memory_space<hbm>>
      %dma_wait3A_91 = arith.constant 0 : i32
      %dma_wait3A_92 = arith.constant 0 : i32
      %dma_wait3A_93 = tpu.memref_slice %arg3[%add3A, %dma_wait3A_91, %dma_wait3A_92] : memref<32x79x128xi32, #tpu.memory_space<hbm>> -> memref<1x79x128xi32, #tpu.memory_space<hbm>>
      %dma_wait3A_94 = tpu.memref_squeeze %dma_wait3A_93 : memref<1x79x128xi32, #tpu.memory_space<hbm>> -> memref<79x128xi32, #tpu.memory_space<hbm>>
      tpu.wait_dma2 semaphore(%run_scoped3A : memref<!tpu.dma_semaphore, #tpu.memory_space<semaphore_mem>>) src(%dma_wait3A_94 : memref<79x128xi32, #tpu.memory_space<hbm>>) dst(%arg5 : memref<79x128xi32, #tpu.memory_space<vmem>>)
      tpu.yield
    }) : () -> ()
    %scan3A_17 = arith.constant 0 : i32
    %scan3A_18 = arith.constant 0 : i32
    %scan3A_19 = arith.constant 8 : i32
    %scan3A_20 = arith.addi %scan3A_18, %scan3A_19 : i32
    %scan3A_21 = arith.constant 1 : i32
    %scan3A_22 = scf.for %scan3A_80 = %scan3A_18 to %scan3A_20 step %scan3A_21 iter_args(%scan3A_81 = %scan3A_17) -> (i32)  : i32 {
      %mul3A_82 = arith.constant 16 : i32
      %mul3A_83 = arith.muli %scan3A_80, %mul3A_82 : i32
      %get3A = arith.constant 0 : i32
      %get3A_84 = arith.index_cast %get3A : i32 to index
      %get3A_85 = arith.index_cast %mul3A_83 : i32 to index
      %get3A_86 = tpu.vector_load %arg5[%get3A_84, %get3A_85] {strides = array<i32>} : memref<79x128xi32, #tpu.memory_space<vmem>>, vector<1x16xi32>,
      %get3A_87 = vector.shape_cast %get3A_86 : vector<1x16xi32> to vector<16xi32>
      %and3A_88 = arith.constant 65535 : i32
      %and3A_89 = vector.broadcast %and3A_88 : i32 to vector<16xi32>
      %and3A_90 = arith.andi %get3A_87, %and3A_89 : vector<16xi32>
      %mul3A_91 = arith.constant 16 : i32
      %mul3A_92 = arith.muli %scan3A_80, %mul3A_91 : i32
      %swap3A = arith.constant 0 : i32
      %swap3A_93 = arith.index_cast %swap3A : i32 to index
      %swap3A_94 = arith.index_cast %mul3A_92 : i32 to index
      %swap3A_95 = tpu.vector_load %arg6[%swap3A_93, %swap3A_94] {strides = array<i32>} : memref<2x128xi32, #tpu.memory_space<vmem>>, vector<1x16xi32>,
      %swap3A_96 = vector.shape_cast %swap3A_95 : vector<1x16xi32> to vector<16xi32>
      %swap3A_97 = vector.shape_cast %and3A_90 : vector<16xi32> to vector<1x16xi32>
      tpu.vector_store %arg6[%swap3A_93, %swap3A_94], %swap3A_97 {strides = array<i32>} : memref<2x128xi32, #tpu.memory_space<vmem>>, vector<1x16xi32>,
      %shift_right_logical3A = arith.constant 16 : i32
      %shift_right_logical3A_98 = vector.broadcast %shift_right_logical3A : i32 to vector<16xi32>
      %shift_right_logical3A_99 = arith.shrui %get3A_87, %shift_right_logical3A_98 : vector<16xi32>
      %mul3A_100 = arith.constant 16 : i32
      %mul3A_101 = arith.muli %scan3A_80, %mul3A_100 : i32
      %swap3A_102 = arith.constant 0 : i32
      %swap3A_103 = arith.index_cast %swap3A_102 : i32 to index
      %swap3A_104 = arith.index_cast %mul3A_101 : i32 to index
      %swap3A_105 = tpu.vector_load %arg7[%swap3A_103, %swap3A_104] {strides = array<i32>} : memref<2x128xi32, #tpu.memory_space<vmem>>, vector<1x16xi32>,
      %swap3A_106 = vector.shape_cast %swap3A_105 : vector<1x16xi32> to vector<16xi32>
      %swap3A_107 = vector.shape_cast %shift_right_logical3A_99 : vector<16xi32> to vector<1x16xi32>
      tpu.vector_store %arg7[%swap3A_103, %swap3A_104], %swap3A_107 {strides = array<i32>} : memref<2x128xi32, #tpu.memory_space<vmem>>, vector<1x16xi32>,
      %scan3A_108 = arith.constant 0 : i32
      scf.yield %scan3A_108 : i32
    }
    %scan3A_23 = arith.constant 8 : i32
    %dma_start3A = arith.constant 0 : i32
    %dma_start3A_24 = arith.constant 0 : i32
    %dma_start3A_25 = tpu.memref_slice %arg6[%dma_start3A, %dma_start3A_24] : memref<2x128xi32, #tpu.memory_space<vmem>> -> memref<1x128xi32, #tpu.memory_space<vmem>>
    %dma_start3A_26 = tpu.memref_squeeze %dma_start3A_25 : memref<1x128xi32, #tpu.memory_space<vmem>> -> memref<128xi32, #tpu.memory_space<vmem>>
    %dma_start3A_27 = arith.constant 0 : i32
    %dma_start3A_28 = arith.constant 0 : i32
    %dma_start3A_29 = tpu.memref_slice %arg2[%dma_start3A_27, %dma_start3A_28] : memref<10240x128xf32, #tpu.memory_space<hbm>> -> memref<10240x128xf32, #tpu.memory_space<hbm>>
    tpu.enqueue_indirect_dma source(%dma_start3A_29 : memref<10240x128xf32, #tpu.memory_space<hbm>>) target(%arg8 : memref<128x128xf32, #tpu.memory_space<vmem>>) offsets(%dma_start3A_26 : memref<128xi32, #tpu.memory_space<vmem>>) semaphore(%arg11 : memref<!tpu.dma_semaphore, #tpu.memory_space<semaphore_mem>>)
    %jit3A_30 = arith.constant 2 : i32
    %div3A = arith.divsi %select_n3A, %jit3A_30 : i32
    %sign3A = arith.constant 0 : i32
    %sign3A_31 = arith.cmpi sgt, %select_n3A, %sign3A : i32
    %sign3A_32 = arith.extui %sign3A_31 : i1 to i32
    %sign3A_33 = arith.constant 0 : i32
    %sign3A_34 = arith.cmpi slt, %select_n3A, %sign3A_33 : i32
    %sign3A_35 = arith.extui %sign3A_34 : i1 to i32
    %sign3A_36 = arith.subi %sign3A_32, %sign3A_35 : i32
    %sign3A_37 = arith.constant 0 : i32
    %sign3A_38 = arith.cmpi sgt, %jit3A_30, %sign3A_37 : i32
    %sign3A_39 = arith.extui %sign3A_38 : i1 to i32
    %sign3A_40 = arith.constant 0 : i32
    %sign3A_41 = arith.cmpi slt, %jit3A_30, %sign3A_40 : i32
    %sign3A_42 = arith.extui %sign3A_41 : i1 to i32
    %sign3A_43 = arith.subi %sign3A_39, %sign3A_42 : i32
    %ne3A = arith.cmpi ne, %sign3A_36, %sign3A_43 : i32
    %rem3A = arith.remsi %select_n3A, %jit3A_30 : i32
    %ne3A_44 = arith.constant 0 : i32
    %ne3A_45 = arith.cmpi ne, %rem3A, %ne3A_44 : i32
    %and3A = arith.andi %ne3A, %ne3A_45 : i1
    %sub3A = arith.constant 1 : i32
    %sub3A_46 = arith.subi %div3A, %sub3A : i32
    %select_n3A_47 = arith.select %and3A, %sub3A_46, %div3A : i32
    %while3A = arith.constant 0 : i32
    %while3A_48 = arith.constant 0 : i32
    %while3A_49 = arith.subi %select_n3A_47, %while3A : i32
    %while3A_50 = arith.addi %while3A, %while3A_49 : i32
    %while3A_51 = arith.constant 1 : i32
    %while3A_52 = arith.divsi %while3A_49, %while3A_51 : i32
    %while3A_53 = arith.muli %while3A_52, %while3A_51 : i32
    %while3A_54 = arith.addi %while3A, %while3A_53 : i32
    %while3A_55 = arith.constant 1 : i32
    %while3A_56 = scf.for %while3A_80 = %while3A to %while3A_54 step %while3A_55 iter_args(%while3A_81 = %while3A_48) -> (i32)  : i32 {
      %mul3A_82 = arith.constant 2 : i32
      %mul3A_83 = arith.muli %mul3A_82, %while3A_80 : i32
      %add3A_84 = arith.constant 1 : i32
      %add3A_85 = arith.addi %mul3A_83, %add3A_84 : i32
      %scan3A_86 = arith.constant 0 : i32
      %scan3A_87 = arith.constant 0 : i32
      %scan3A_88 = arith.constant 8 : i32
      %scan3A_89 = arith.addi %scan3A_87, %scan3A_88 : i32
      %scan3A_90 = arith.constant 1 : i32
      %scan3A_91 = scf.for %scan3A_127 = %scan3A_87 to %scan3A_89 step %scan3A_90 iter_args(%scan3A_128 = %scan3A_86) -> (i32)  : i32 {
        %mul3A_129 = arith.constant 16 : i32
        %mul3A_130 = arith.muli %scan3A_127, %mul3A_129 : i32
        %get3A = arith.index_cast %add3A_85 : i32 to index
        %get3A_131 = arith.index_cast %mul3A_130 : i32 to index
        %get3A_132 = tpu.vector_load %arg5[%get3A, %get3A_131] {strides = array<i32>} : memref<79x128xi32, #tpu.memory_space<vmem>>, vector<1x16xi32>,
        %get3A_133 = vector.shape_cast %get3A_132 : vector<1x16xi32> to vector<16xi32>
        %and3A_134 = arith.constant 65535 : i32
        %and3A_135 = vector.broadcast %and3A_134 : i32 to vector<16xi32>
        %and3A_136 = arith.andi %get3A_133, %and3A_135 : vector<16xi32>
        %mul3A_137 = arith.constant 16 : i32
        %mul3A_138 = arith.muli %scan3A_127, %mul3A_137 : i32
        %swap3A = arith.constant 1 : i32
        %swap3A_139 = arith.index_cast %swap3A : i32 to index
        %swap3A_140 = arith.index_cast %mul3A_138 : i32 to index
        %swap3A_141 = tpu.vector_load %arg6[%swap3A_139, %swap3A_140] {strides = array<i32>} : memref<2x128xi32, #tpu.memory_space<vmem>>, vector<1x16xi32>,
        %swap3A_142 = vector.shape_cast %swap3A_141 : vector<1x16xi32> to vector<16xi32>
        %swap3A_143 = vector.shape_cast %and3A_136 : vector<16xi32> to vector<1x16xi32>
        tpu.vector_store %arg6[%swap3A_139, %swap3A_140], %swap3A_143 {strides = array<i32>} : memref<2x128xi32, #tpu.memory_space<vmem>>, vector<1x16xi32>,
        %shift_right_logical3A = arith.constant 16 : i32
        %shift_right_logical3A_144 = vector.broadcast %shift_right_logical3A : i32 to vector<16xi32>
        %shift_right_logical3A_145 = arith.shrui %get3A_133, %shift_right_logical3A_144 : vector<16xi32>
        %mul3A_146 = arith.constant 16 : i32
        %mul3A_147 = arith.muli %scan3A_127, %mul3A_146 : i32
        %swap3A_148 = arith.constant 1 : i32
        %swap3A_149 = arith.index_cast %swap3A_148 : i32 to index
        %swap3A_150 = arith.index_cast %mul3A_147 : i32 to index
        %swap3A_151 = tpu.vector_load %arg7[%swap3A_149, %swap3A_150] {strides = array<i32>} : memref<2x128xi32, #tpu.memory_space<vmem>>, vector<1x16xi32>,
        %swap3A_152 = vector.shape_cast %swap3A_151 : vector<1x16xi32> to vector<16xi32>
        %swap3A_153 = vector.shape_cast %shift_right_logical3A_145 : vector<16xi32> to vector<1x16xi32>
        tpu.vector_store %arg7[%swap3A_149, %swap3A_150], %swap3A_153 {strides = array<i32>} : memref<2x128xi32, #tpu.memory_space<vmem>>, vector<1x16xi32>,
        %scan3A_154 = arith.constant 0 : i32
        scf.yield %scan3A_154 : i32
      }
      %scan3A_92 = arith.constant 8 : i32
      %dma_wait3A = arith.constant 0 : i32
      %dma_wait3A_93 = arith.constant 0 : i32
      %dma_wait3A_94 = tpu.memref_slice %arg6[%dma_wait3A, %dma_wait3A_93] : memref<2x128xi32, #tpu.memory_space<vmem>> -> memref<1x128xi32, #tpu.memory_space<vmem>>
      %dma_wait3A_95 = tpu.memref_squeeze %dma_wait3A_94 : memref<1x128xi32, #tpu.memory_space<vmem>> -> memref<128xi32, #tpu.memory_space<vmem>>
      %dma_wait3A_96 = arith.constant 0 : i32
      %dma_wait3A_97 = arith.constant 0 : i32
      %dma_wait3A_98 = tpu.memref_slice %arg2[%dma_wait3A_96, %dma_wait3A_97] : memref<10240x128xf32, #tpu.memory_space<hbm>> -> memref<10240x128xf32, #tpu.memory_space<hbm>>
      tpu.wait_indirect_dma semaphore(%arg11 : memref<!tpu.dma_semaphore, #tpu.memory_space<semaphore_mem>>) src(%dma_wait3A_98 : memref<10240x128xf32, #tpu.memory_space<hbm>>) dst(%arg8 : memref<128x128xf32, #tpu.memory_space<vmem>>)
      %dma_start3A_99 = arith.constant 1 : i32
      %dma_start3A_100 = arith.constant 0 : i32
      %dma_start3A_101 = tpu.memref_slice %arg6[%dma_start3A_99, %dma_start3A_100] : memref<2x128xi32, #tpu.memory_space<vmem>> -> memref<1x128xi32, #tpu.memory_space<vmem>>
      %dma_start3A_102 = tpu.memref_squeeze %dma_start3A_101 : memref<1x128xi32, #tpu.memory_space<vmem>> -> memref<128xi32, #tpu.memory_space<vmem>>
      %dma_start3A_103 = arith.constant 0 : i32
      %dma_start3A_104 = arith.constant 0 : i32
      %dma_start3A_105 = tpu.memref_slice %arg2[%dma_start3A_103, %dma_start3A_104] : memref<10240x128xf32, #tpu.memory_space<hbm>> -> memref<10240x128xf32, #tpu.memory_space<hbm>>
      tpu.enqueue_indirect_dma source(%dma_start3A_105 : memref<10240x128xf32, #tpu.memory_space<hbm>>) target(%arg9 : memref<128x128xf32, #tpu.memory_space<vmem>>) offsets(%dma_start3A_102 : memref<128xi32, #tpu.memory_space<vmem>>) semaphore(%arg12 : memref<!tpu.dma_semaphore, #tpu.memory_space<semaphore_mem>>)
      %run_scoped3A = arith.constant 0 : i32
      "tpu.region"() ({
        %run_scoped3A_127 = tpu.sem_alloc : memref<!tpu.dma_semaphore, #tpu.memory_space<semaphore_mem>>
        %dma_start3A_128 = arith.constant 0 : i32
        %dma_start3A_129 = tpu.memref_slice %arg7[%run_scoped3A, %dma_start3A_128] : memref<2x128xi32, #tpu.memory_space<vmem>> -> memref<1x128xi32, #tpu.memory_space<vmem>>
        %dma_start3A_130 = tpu.memref_squeeze %dma_start3A_129 : memref<1x128xi32, #tpu.memory_space<vmem>> -> memref<128xi32, #tpu.memory_space<vmem>>
        %dma_start3A_131 = arith.constant 0 : i32
        %dma_start3A_132 = arith.constant 0 : i32
        %dma_start3A_133 = tpu.memref_slice %arg10[%dma_start3A_131, %dma_start3A_132] : memref<10240x128xf32, #tpu.memory_space<vmem_shared>> -> memref<10240x128xf32, #tpu.memory_space<vmem_shared>>
        tpu.enqueue_indirect_dma source(%arg8 : memref<128x128xf32, #tpu.memory_space<vmem>>) target(%dma_start3A_133 : memref<10240x128xf32, #tpu.memory_space<vmem_shared>>) offsets(%dma_start3A_130 : memref<128xi32, #tpu.memory_space<vmem>>) semaphore(%run_scoped3A_127 : memref<!tpu.dma_semaphore, #tpu.memory_space<semaphore_mem>>) {add = true}
        %dma_wait3A_134 = arith.constant 0 : i32
        %dma_wait3A_135 = tpu.memref_slice %arg7[%run_scoped3A, %dma_wait3A_134] : memref<2x128xi32, #tpu.memory_space<vmem>> -> memref<1x128xi32, #tpu.memory_space<vmem>>
        %dma_wait3A_136 = tpu.memref_squeeze %dma_wait3A_135 : memref<1x128xi32, #tpu.memory_space<vmem>> -> memref<128xi32, #tpu.memory_space<vmem>>
        %dma_wait3A_137 = arith.constant 0 : i32
        %dma_wait3A_138 = arith.constant 0 : i32
        %dma_wait3A_139 = tpu.memref_slice %arg10[%dma_wait3A_137, %dma_wait3A_138] : memref<10240x128xf32, #tpu.memory_space<vmem_shared>> -> memref<10240x128xf32, #tpu.memory_space<vmem_shared>>
        tpu.wait_indirect_dma semaphore(%run_scoped3A_127 : memref<!tpu.dma_semaphore, #tpu.memory_space<semaphore_mem>>) src(%arg8 : memref<128x128xf32, #tpu.memory_space<vmem>>) dst(%dma_wait3A_139 : memref<10240x128xf32, #tpu.memory_space<vmem_shared>>)
        tpu.yield
      }) : () -> ()
      %add3A_106 = arith.constant 1 : i32
      %add3A_107 = arith.addi %add3A_85, %add3A_106 : i32
      %lt3A_108 = arith.cmpi slt, %add3A_107, %select_n3A : i32
      %convert_element_type3A_109 = arith.extui %lt3A_108 : i1 to i32
      %cond3A_110 = arith.constant 0 : i32
      %cond3A_111 = arith.cmpi ne, %convert_element_type3A_109, %cond3A_110 : i32
      scf.if %cond3A_111 {
        %add3A_127 = arith.constant 1 : i32
        %add3A_128 = arith.addi %add3A_85, %add3A_127 : i32
        %scan3A_129 = arith.constant 0 : i32
        %scan3A_130 = arith.constant 0 : i32
        %scan3A_131 = arith.constant 8 : i32
        %scan3A_132 = arith.addi %scan3A_130, %scan3A_131 : i32
        %scan3A_133 = arith.constant 1 : i32
        %scan3A_134 = scf.for %scan3A_136 = %scan3A_130 to %scan3A_132 step %scan3A_133 iter_args(%scan3A_137 = %scan3A_129) -> (i32)  : i32 {
          %mul3A_138 = arith.constant 16 : i32
          %mul3A_139 = arith.muli %scan3A_136, %mul3A_138 : i32
          %get3A = arith.index_cast %add3A_128 : i32 to index
          %get3A_140 = arith.index_cast %mul3A_139 : i32 to index
          %get3A_141 = tpu.vector_load %arg5[%get3A, %get3A_140] {strides = array<i32>} : memref<79x128xi32, #tpu.memory_space<vmem>>, vector<1x16xi32>,
          %get3A_142 = vector.shape_cast %get3A_141 : vector<1x16xi32> to vector<16xi32>
          %and3A_143 = arith.constant 65535 : i32
          %and3A_144 = vector.broadcast %and3A_143 : i32 to vector<16xi32>
          %and3A_145 = arith.andi %get3A_142, %and3A_144 : vector<16xi32>
          %mul3A_146 = arith.constant 16 : i32
          %mul3A_147 = arith.muli %scan3A_136, %mul3A_146 : i32
          %swap3A = arith.constant 0 : i32
          %swap3A_148 = arith.index_cast %swap3A : i32 to index
          %swap3A_149 = arith.index_cast %mul3A_147 : i32 to index
          %swap3A_150 = tpu.vector_load %arg6[%swap3A_148, %swap3A_149] {strides = array<i32>} : memref<2x128xi32, #tpu.memory_space<vmem>>, vector<1x16xi32>,
          %swap3A_151 = vector.shape_cast %swap3A_150 : vector<1x16xi32> to vector<16xi32>
          %swap3A_152 = vector.shape_cast %and3A_145 : vector<16xi32> to vector<1x16xi32>
          tpu.vector_store %arg6[%swap3A_148, %swap3A_149], %swap3A_152 {strides = array<i32>} : memref<2x128xi32, #tpu.memory_space<vmem>>, vector<1x16xi32>,
          %shift_right_logical3A = arith.constant 16 : i32
          %shift_right_logical3A_153 = vector.broadcast %shift_right_logical3A : i32 to vector<16xi32>
          %shift_right_logical3A_154 = arith.shrui %get3A_142, %shift_right_logical3A_153 : vector<16xi32>
          %mul3A_155 = arith.constant 16 : i32
          %mul3A_156 = arith.muli %scan3A_136, %mul3A_155 : i32
          %swap3A_157 = arith.constant 0 : i32
          %swap3A_158 = arith.index_cast %swap3A_157 : i32 to index
          %swap3A_159 = arith.index_cast %mul3A_156 : i32 to index
          %swap3A_160 = tpu.vector_load %arg7[%swap3A_158, %swap3A_159] {strides = array<i32>} : memref<2x128xi32, #tpu.memory_space<vmem>>, vector<1x16xi32>,
          %swap3A_161 = vector.shape_cast %swap3A_160 : vector<1x16xi32> to vector<16xi32>
          %swap3A_162 = vector.shape_cast %shift_right_logical3A_154 : vector<16xi32> to vector<1x16xi32>
          tpu.vector_store %arg7[%swap3A_158, %swap3A_159], %swap3A_162 {strides = array<i32>} : memref<2x128xi32, #tpu.memory_space<vmem>>, vector<1x16xi32>,
          %scan3A_163 = arith.constant 0 : i32
          scf.yield %scan3A_163 : i32
        }
        %scan3A_135 = arith.constant 8 : i32
      } else {
      }
      %dma_wait3A_112 = arith.constant 1 : i32
      %dma_wait3A_113 = arith.constant 0 : i32
      %dma_wait3A_114 = tpu.memref_slice %arg6[%dma_wait3A_112, %dma_wait3A_113] : memref<2x128xi32, #tpu.memory_space<vmem>> -> memref<1x128xi32, #tpu.memory_space<vmem>>
      %dma_wait3A_115 = tpu.memref_squeeze %dma_wait3A_114 : memref<1x128xi32, #tpu.memory_space<vmem>> -> memref<128xi32, #tpu.memory_space<vmem>>
      %dma_wait3A_116 = arith.constant 0 : i32
      %dma_wait3A_117 = arith.constant 0 : i32
      %dma_wait3A_118 = tpu.memref_slice %arg2[%dma_wait3A_116, %dma_wait3A_117] : memref<10240x128xf32, #tpu.memory_space<hbm>> -> memref<10240x128xf32, #tpu.memory_space<hbm>>
      tpu.wait_indirect_dma semaphore(%arg12 : memref<!tpu.dma_semaphore, #tpu.memory_space<semaphore_mem>>) src(%dma_wait3A_118 : memref<10240x128xf32, #tpu.memory_space<hbm>>) dst(%arg9 : memref<128x128xf32, #tpu.memory_space<vmem>>)
      %add3A_119 = arith.constant 1 : i32
      %add3A_120 = arith.addi %add3A_85, %add3A_119 : i32
      %lt3A_121 = arith.cmpi slt, %add3A_120, %select_n3A : i32
      %convert_element_type3A_122 = arith.extui %lt3A_121 : i1 to i32
      %cond3A_123 = arith.constant 0 : i32
      %cond3A_124 = arith.cmpi ne, %convert_element_type3A_122, %cond3A_123 : i32
      scf.if %cond3A_124 {
        %dma_start3A_127 = arith.constant 0 : i32
        %dma_start3A_128 = arith.constant 0 : i32
        %dma_start3A_129 = tpu.memref_slice %arg6[%dma_start3A_127, %dma_start3A_128] : memref<2x128xi32, #tpu.memory_space<vmem>> -> memref<1x128xi32, #tpu.memory_space<vmem>>
        %dma_start3A_130 = tpu.memref_squeeze %dma_start3A_129 : memref<1x128xi32, #tpu.memory_space<vmem>> -> memref<128xi32, #tpu.memory_space<vmem>>
        %dma_start3A_131 = arith.constant 0 : i32
        %dma_start3A_132 = arith.constant 0 : i32
        %dma_start3A_133 = tpu.memref_slice %arg2[%dma_start3A_131, %dma_start3A_132] : memref<10240x128xf32, #tpu.memory_space<hbm>> -> memref<10240x128xf32, #tpu.memory_space<hbm>>
        tpu.enqueue_indirect_dma source(%dma_start3A_133 : memref<10240x128xf32, #tpu.memory_space<hbm>>) target(%arg8 : memref<128x128xf32, #tpu.memory_space<vmem>>) offsets(%dma_start3A_130 : memref<128xi32, #tpu.memory_space<vmem>>) semaphore(%arg11 : memref<!tpu.dma_semaphore, #tpu.memory_space<semaphore_mem>>)
      } else {
      }
      %run_scoped3A_125 = arith.constant 1 : i32
      "tpu.region"() ({
        %run_scoped3A_127 = tpu.sem_alloc : memref<!tpu.dma_semaphore, #tpu.memory_space<semaphore_mem>>
        %dma_start3A_128 = arith.constant 0 : i32
        %dma_start3A_129 = tpu.memref_slice %arg7[%run_scoped3A_125, %dma_start3A_128] : memref<2x128xi32, #tpu.memory_space<vmem>> -> memref<1x128xi32, #tpu.memory_space<vmem>>
        %dma_start3A_130 = tpu.memref_squeeze %dma_start3A_129 : memref<1x128xi32, #tpu.memory_space<vmem>> -> memref<128xi32, #tpu.memory_space<vmem>>
        %dma_start3A_131 = arith.constant 0 : i32
        %dma_start3A_132 = arith.constant 0 : i32
        %dma_start3A_133 = tpu.memref_slice %arg10[%dma_start3A_131, %dma_start3A_132] : memref<10240x128xf32, #tpu.memory_space<vmem_shared>> -> memref<10240x128xf32, #tpu.memory_space<vmem_shared>>
        tpu.enqueue_indirect_dma source(%arg9 : memref<128x128xf32, #tpu.memory_space<vmem>>) target(%dma_start3A_133 : memref<10240x128xf32, #tpu.memory_space<vmem_shared>>) offsets(%dma_start3A_130 : memref<128xi32, #tpu.memory_space<vmem>>) semaphore(%run_scoped3A_127 : memref<!tpu.dma_semaphore, #tpu.memory_space<semaphore_mem>>) {add = true}
        %dma_wait3A_134 = arith.constant 0 : i32
        %dma_wait3A_135 = tpu.memref_slice %arg7[%run_scoped3A_125, %dma_wait3A_134] : memref<2x128xi32, #tpu.memory_space<vmem>> -> memref<1x128xi32, #tpu.memory_space<vmem>>
        %dma_wait3A_136 = tpu.memref_squeeze %dma_wait3A_135 : memref<1x128xi32, #tpu.memory_space<vmem>> -> memref<128xi32, #tpu.memory_space<vmem>>
        %dma_wait3A_137 = arith.constant 0 : i32
        %dma_wait3A_138 = arith.constant 0 : i32
        %dma_wait3A_139 = tpu.memref_slice %arg10[%dma_wait3A_137, %dma_wait3A_138] : memref<10240x128xf32, #tpu.memory_space<vmem_shared>> -> memref<10240x128xf32, #tpu.memory_space<vmem_shared>>
        tpu.wait_indirect_dma semaphore(%run_scoped3A_127 : memref<!tpu.dma_semaphore, #tpu.memory_space<semaphore_mem>>) src(%arg9 : memref<128x128xf32, #tpu.memory_space<vmem>>) dst(%dma_wait3A_139 : memref<10240x128xf32, #tpu.memory_space<vmem_shared>>)
        tpu.yield
      }) : () -> ()
      %while3A_126 = arith.constant 0 : i32
      scf.yield %while3A_126 : i32
    }
    %while3A_57 = arith.constant 1 : i32
    %while3A_58 = scf.for %while3A_80 = %while3A_54 to %while3A_50 step %while3A_57 iter_args(%while3A_81 = %while3A_56) -> (i32)  : i32 {
      %mul3A_82 = arith.constant 2 : i32
      %mul3A_83 = arith.muli %mul3A_82, %while3A_80 : i32
      %add3A_84 = arith.constant 1 : i32
      %add3A_85 = arith.addi %mul3A_83, %add3A_84 : i32
      %scan3A_86 = arith.constant 0 : i32
      %scan3A_87 = arith.constant 0 : i32
      %scan3A_88 = arith.constant 8 : i32
      %scan3A_89 = arith.addi %scan3A_87, %scan3A_88 : i32
      %scan3A_90 = arith.constant 1 : i32
      %scan3A_91 = scf.for %scan3A_127 = %scan3A_87 to %scan3A_89 step %scan3A_90 iter_args(%scan3A_128 = %scan3A_86) -> (i32)  : i32 {
        %mul3A_129 = arith.constant 16 : i32
        %mul3A_130 = arith.muli %scan3A_127, %mul3A_129 : i32
        %get3A = arith.index_cast %add3A_85 : i32 to index
        %get3A_131 = arith.index_cast %mul3A_130 : i32 to index
        %get3A_132 = tpu.vector_load %arg5[%get3A, %get3A_131] {strides = array<i32>} : memref<79x128xi32, #tpu.memory_space<vmem>>, vector<1x16xi32>,
        %get3A_133 = vector.shape_cast %get3A_132 : vector<1x16xi32> to vector<16xi32>
        %and3A_134 = arith.constant 65535 : i32
        %and3A_135 = vector.broadcast %and3A_134 : i32 to vector<16xi32>
        %and3A_136 = arith.andi %get3A_133, %and3A_135 : vector<16xi32>
        %mul3A_137 = arith.constant 16 : i32
        %mul3A_138 = arith.muli %scan3A_127, %mul3A_137 : i32
        %swap3A = arith.constant 1 : i32
        %swap3A_139 = arith.index_cast %swap3A : i32 to index
        %swap3A_140 = arith.index_cast %mul3A_138 : i32 to index
        %swap3A_141 = tpu.vector_load %arg6[%swap3A_139, %swap3A_140] {strides = array<i32>} : memref<2x128xi32, #tpu.memory_space<vmem>>, vector<1x16xi32>,
        %swap3A_142 = vector.shape_cast %swap3A_141 : vector<1x16xi32> to vector<16xi32>
        %swap3A_143 = vector.shape_cast %and3A_136 : vector<16xi32> to vector<1x16xi32>
        tpu.vector_store %arg6[%swap3A_139, %swap3A_140], %swap3A_143 {strides = array<i32>} : memref<2x128xi32, #tpu.memory_space<vmem>>, vector<1x16xi32>,
        %shift_right_logical3A = arith.constant 16 : i32
        %shift_right_logical3A_144 = vector.broadcast %shift_right_logical3A : i32 to vector<16xi32>
        %shift_right_logical3A_145 = arith.shrui %get3A_133, %shift_right_logical3A_144 : vector<16xi32>
        %mul3A_146 = arith.constant 16 : i32
        %mul3A_147 = arith.muli %scan3A_127, %mul3A_146 : i32
        %swap3A_148 = arith.constant 1 : i32
        %swap3A_149 = arith.index_cast %swap3A_148 : i32 to index
        %swap3A_150 = arith.index_cast %mul3A_147 : i32 to index
        %swap3A_151 = tpu.vector_load %arg7[%swap3A_149, %swap3A_150] {strides = array<i32>} : memref<2x128xi32, #tpu.memory_space<vmem>>, vector<1x16xi32>,
        %swap3A_152 = vector.shape_cast %swap3A_151 : vector<1x16xi32> to vector<16xi32>
        %swap3A_153 = vector.shape_cast %shift_right_logical3A_145 : vector<16xi32> to vector<1x16xi32>
        tpu.vector_store %arg7[%swap3A_149, %swap3A_150], %swap3A_153 {strides = array<i32>} : memref<2x128xi32, #tpu.memory_space<vmem>>, vector<1x16xi32>,
        %scan3A_154 = arith.constant 0 : i32
        scf.yield %scan3A_154 : i32
      }
      %scan3A_92 = arith.constant 8 : i32
      %dma_wait3A = arith.constant 0 : i32
      %dma_wait3A_93 = arith.constant 0 : i32
      %dma_wait3A_94 = tpu.memref_slice %arg6[%dma_wait3A, %dma_wait3A_93] : memref<2x128xi32, #tpu.memory_space<vmem>> -> memref<1x128xi32, #tpu.memory_space<vmem>>
      %dma_wait3A_95 = tpu.memref_squeeze %dma_wait3A_94 : memref<1x128xi32, #tpu.memory_space<vmem>> -> memref<128xi32, #tpu.memory_space<vmem>>
      %dma_wait3A_96 = arith.constant 0 : i32
      %dma_wait3A_97 = arith.constant 0 : i32
      %dma_wait3A_98 = tpu.memref_slice %arg2[%dma_wait3A_96, %dma_wait3A_97] : memref<10240x128xf32, #tpu.memory_space<hbm>> -> memref<10240x128xf32, #tpu.memory_space<hbm>>
      tpu.wait_indirect_dma semaphore(%arg11 : memref<!tpu.dma_semaphore, #tpu.memory_space<semaphore_mem>>) src(%dma_wait3A_98 : memref<10240x128xf32, #tpu.memory_space<hbm>>) dst(%arg8 : memref<128x128xf32, #tpu.memory_space<vmem>>)
      %dma_start3A_99 = arith.constant 1 : i32
      %dma_start3A_100 = arith.constant 0 : i32
      %dma_start3A_101 = tpu.memref_slice %arg6[%dma_start3A_99, %dma_start3A_100] : memref<2x128xi32, #tpu.memory_space<vmem>> -> memref<1x128xi32, #tpu.memory_space<vmem>>
      %dma_start3A_102 = tpu.memref_squeeze %dma_start3A_101 : memref<1x128xi32, #tpu.memory_space<vmem>> -> memref<128xi32, #tpu.memory_space<vmem>>
      %dma_start3A_103 = arith.constant 0 : i32
      %dma_start3A_104 = arith.constant 0 : i32
      %dma_start3A_105 = tpu.memref_slice %arg2[%dma_start3A_103, %dma_start3A_104] : memref<10240x128xf32, #tpu.memory_space<hbm>> -> memref<10240x128xf32, #tpu.memory_space<hbm>>
      tpu.enqueue_indirect_dma source(%dma_start3A_105 : memref<10240x128xf32, #tpu.memory_space<hbm>>) target(%arg9 : memref<128x128xf32, #tpu.memory_space<vmem>>) offsets(%dma_start3A_102 : memref<128xi32, #tpu.memory_space<vmem>>) semaphore(%arg12 : memref<!tpu.dma_semaphore, #tpu.memory_space<semaphore_mem>>)
      %run_scoped3A = arith.constant 0 : i32
      "tpu.region"() ({
        %run_scoped3A_127 = tpu.sem_alloc : memref<!tpu.dma_semaphore, #tpu.memory_space<semaphore_mem>>
        %dma_start3A_128 = arith.constant 0 : i32
        %dma_start3A_129 = tpu.memref_slice %arg7[%run_scoped3A, %dma_start3A_128] : memref<2x128xi32, #tpu.memory_space<vmem>> -> memref<1x128xi32, #tpu.memory_space<vmem>>
        %dma_start3A_130 = tpu.memref_squeeze %dma_start3A_129 : memref<1x128xi32, #tpu.memory_space<vmem>> -> memref<128xi32, #tpu.memory_space<vmem>>
        %dma_start3A_131 = arith.constant 0 : i32
        %dma_start3A_132 = arith.constant 0 : i32
        %dma_start3A_133 = tpu.memref_slice %arg10[%dma_start3A_131, %dma_start3A_132] : memref<10240x128xf32, #tpu.memory_space<vmem_shared>> -> memref<10240x128xf32, #tpu.memory_space<vmem_shared>>
        tpu.enqueue_indirect_dma source(%arg8 : memref<128x128xf32, #tpu.memory_space<vmem>>) target(%dma_start3A_133 : memref<10240x128xf32, #tpu.memory_space<vmem_shared>>) offsets(%dma_start3A_130 : memref<128xi32, #tpu.memory_space<vmem>>) semaphore(%run_scoped3A_127 : memref<!tpu.dma_semaphore, #tpu.memory_space<semaphore_mem>>) {add = true}
        %dma_wait3A_134 = arith.constant 0 : i32
        %dma_wait3A_135 = tpu.memref_slice %arg7[%run_scoped3A, %dma_wait3A_134] : memref<2x128xi32, #tpu.memory_space<vmem>> -> memref<1x128xi32, #tpu.memory_space<vmem>>
        %dma_wait3A_136 = tpu.memref_squeeze %dma_wait3A_135 : memref<1x128xi32, #tpu.memory_space<vmem>> -> memref<128xi32, #tpu.memory_space<vmem>>
        %dma_wait3A_137 = arith.constant 0 : i32
        %dma_wait3A_138 = arith.constant 0 : i32
        %dma_wait3A_139 = tpu.memref_slice %arg10[%dma_wait3A_137, %dma_wait3A_138] : memref<10240x128xf32, #tpu.memory_space<vmem_shared>> -> memref<10240x128xf32, #tpu.memory_space<vmem_shared>>
        tpu.wait_indirect_dma semaphore(%run_scoped3A_127 : memref<!tpu.dma_semaphore, #tpu.memory_space<semaphore_mem>>) src(%arg8 : memref<128x128xf32, #tpu.memory_space<vmem>>) dst(%dma_wait3A_139 : memref<10240x128xf32, #tpu.memory_space<vmem_shared>>)
        tpu.yield
      }) : () -> ()
      %add3A_106 = arith.constant 1 : i32
      %add3A_107 = arith.addi %add3A_85, %add3A_106 : i32
      %lt3A_108 = arith.cmpi slt, %add3A_107, %select_n3A : i32
      %convert_element_type3A_109 = arith.extui %lt3A_108 : i1 to i32
      %cond3A_110 = arith.constant 0 : i32
      %cond3A_111 = arith.cmpi ne, %convert_element_type3A_109, %cond3A_110 : i32
      scf.if %cond3A_111 {
        %add3A_127 = arith.constant 1 : i32
        %add3A_128 = arith.addi %add3A_85, %add3A_127 : i32
        %scan3A_129 = arith.constant 0 : i32
        %scan3A_130 = arith.constant 0 : i32
        %scan3A_131 = arith.constant 8 : i32
        %scan3A_132 = arith.addi %scan3A_130, %scan3A_131 : i32
        %scan3A_133 = arith.constant 1 : i32
        %scan3A_134 = scf.for %scan3A_136 = %scan3A_130 to %scan3A_132 step %scan3A_133 iter_args(%scan3A_137 = %scan3A_129) -> (i32)  : i32 {
          %mul3A_138 = arith.constant 16 : i32
          %mul3A_139 = arith.muli %scan3A_136, %mul3A_138 : i32
          %get3A = arith.index_cast %add3A_128 : i32 to index
          %get3A_140 = arith.index_cast %mul3A_139 : i32 to index
          %get3A_141 = tpu.vector_load %arg5[%get3A, %get3A_140] {strides = array<i32>} : memref<79x128xi32, #tpu.memory_space<vmem>>, vector<1x16xi32>,
          %get3A_142 = vector.shape_cast %get3A_141 : vector<1x16xi32> to vector<16xi32>
          %and3A_143 = arith.constant 65535 : i32
          %and3A_144 = vector.broadcast %and3A_143 : i32 to vector<16xi32>
          %and3A_145 = arith.andi %get3A_142, %and3A_144 : vector<16xi32>
          %mul3A_146 = arith.constant 16 : i32
          %mul3A_147 = arith.muli %scan3A_136, %mul3A_146 : i32
          %swap3A = arith.constant 0 : i32
          %swap3A_148 = arith.index_cast %swap3A : i32 to index
          %swap3A_149 = arith.index_cast %mul3A_147 : i32 to index
          %swap3A_150 = tpu.vector_load %arg6[%swap3A_148, %swap3A_149] {strides = array<i32>} : memref<2x128xi32, #tpu.memory_space<vmem>>, vector<1x16xi32>,
          %swap3A_151 = vector.shape_cast %swap3A_150 : vector<1x16xi32> to vector<16xi32>
          %swap3A_152 = vector.shape_cast %and3A_145 : vector<16xi32> to vector<1x16xi32>
          tpu.vector_store %arg6[%swap3A_148, %swap3A_149], %swap3A_152 {strides = array<i32>} : memref<2x128xi32, #tpu.memory_space<vmem>>, vector<1x16xi32>,
          %shift_right_logical3A = arith.constant 16 : i32
          %shift_right_logical3A_153 = vector.broadcast %shift_right_logical3A : i32 to vector<16xi32>
          %shift_right_logical3A_154 = arith.shrui %get3A_142, %shift_right_logical3A_153 : vector<16xi32>
          %mul3A_155 = arith.constant 16 : i32
          %mul3A_156 = arith.muli %scan3A_136, %mul3A_155 : i32
          %swap3A_157 = arith.constant 0 : i32
          %swap3A_158 = arith.index_cast %swap3A_157 : i32 to index
          %swap3A_159 = arith.index_cast %mul3A_156 : i32 to index
          %swap3A_160 = tpu.vector_load %arg7[%swap3A_158, %swap3A_159] {strides = array<i32>} : memref<2x128xi32, #tpu.memory_space<vmem>>, vector<1x16xi32>,
          %swap3A_161 = vector.shape_cast %swap3A_160 : vector<1x16xi32> to vector<16xi32>
          %swap3A_162 = vector.shape_cast %shift_right_logical3A_154 : vector<16xi32> to vector<1x16xi32>
          tpu.vector_store %arg7[%swap3A_158, %swap3A_159], %swap3A_162 {strides = array<i32>} : memref<2x128xi32, #tpu.memory_space<vmem>>, vector<1x16xi32>,
          %scan3A_163 = arith.constant 0 : i32
          scf.yield %scan3A_163 : i32
        }
        %scan3A_135 = arith.constant 8 : i32
      } else {
      }
      %dma_wait3A_112 = arith.constant 1 : i32
      %dma_wait3A_113 = arith.constant 0 : i32
      %dma_wait3A_114 = tpu.memref_slice %arg6[%dma_wait3A_112, %dma_wait3A_113] : memref<2x128xi32, #tpu.memory_space<vmem>> -> memref<1x128xi32, #tpu.memory_space<vmem>>
      %dma_wait3A_115 = tpu.memref_squeeze %dma_wait3A_114 : memref<1x128xi32, #tpu.memory_space<vmem>> -> memref<128xi32, #tpu.memory_space<vmem>>
      %dma_wait3A_116 = arith.constant 0 : i32
      %dma_wait3A_117 = arith.constant 0 : i32
      %dma_wait3A_118 = tpu.memref_slice %arg2[%dma_wait3A_116, %dma_wait3A_117] : memref<10240x128xf32, #tpu.memory_space<hbm>> -> memref<10240x128xf32, #tpu.memory_space<hbm>>
      tpu.wait_indirect_dma semaphore(%arg12 : memref<!tpu.dma_semaphore, #tpu.memory_space<semaphore_mem>>) src(%dma_wait3A_118 : memref<10240x128xf32, #tpu.memory_space<hbm>>) dst(%arg9 : memref<128x128xf32, #tpu.memory_space<vmem>>)
      %add3A_119 = arith.constant 1 : i32
      %add3A_120 = arith.addi %add3A_85, %add3A_119 : i32
      %lt3A_121 = arith.cmpi slt, %add3A_120, %select_n3A : i32
      %convert_element_type3A_122 = arith.extui %lt3A_121 : i1 to i32
      %cond3A_123 = arith.constant 0 : i32
      %cond3A_124 = arith.cmpi ne, %convert_element_type3A_122, %cond3A_123 : i32
      scf.if %cond3A_124 {
        %dma_start3A_127 = arith.constant 0 : i32
        %dma_start3A_128 = arith.constant 0 : i32
        %dma_start3A_129 = tpu.memref_slice %arg6[%dma_start3A_127, %dma_start3A_128] : memref<2x128xi32, #tpu.memory_space<vmem>> -> memref<1x128xi32, #tpu.memory_space<vmem>>
        %dma_start3A_130 = tpu.memref_squeeze %dma_start3A_129 : memref<1x128xi32, #tpu.memory_space<vmem>> -> memref<128xi32, #tpu.memory_space<vmem>>
        %dma_start3A_131 = arith.constant 0 : i32
        %dma_start3A_132 = arith.constant 0 : i32
        %dma_start3A_133 = tpu.memref_slice %arg2[%dma_start3A_131, %dma_start3A_132] : memref<10240x128xf32, #tpu.memory_space<hbm>> -> memref<10240x128xf32, #tpu.memory_space<hbm>>
        tpu.enqueue_indirect_dma source(%dma_start3A_133 : memref<10240x128xf32, #tpu.memory_space<hbm>>) target(%arg8 : memref<128x128xf32, #tpu.memory_space<vmem>>) offsets(%dma_start3A_130 : memref<128xi32, #tpu.memory_space<vmem>>) semaphore(%arg11 : memref<!tpu.dma_semaphore, #tpu.memory_space<semaphore_mem>>)
      } else {
      }
      %run_scoped3A_125 = arith.constant 1 : i32
      "tpu.region"() ({
        %run_scoped3A_127 = tpu.sem_alloc : memref<!tpu.dma_semaphore, #tpu.memory_space<semaphore_mem>>
        %dma_start3A_128 = arith.constant 0 : i32
        %dma_start3A_129 = tpu.memref_slice %arg7[%run_scoped3A_125, %dma_start3A_128] : memref<2x128xi32, #tpu.memory_space<vmem>> -> memref<1x128xi32, #tpu.memory_space<vmem>>
        %dma_start3A_130 = tpu.memref_squeeze %dma_start3A_129 : memref<1x128xi32, #tpu.memory_space<vmem>> -> memref<128xi32, #tpu.memory_space<vmem>>
        %dma_start3A_131 = arith.constant 0 : i32
        %dma_start3A_132 = arith.constant 0 : i32
        %dma_start3A_133 = tpu.memref_slice %arg10[%dma_start3A_131, %dma_start3A_132] : memref<10240x128xf32, #tpu.memory_space<vmem_shared>> -> memref<10240x128xf32, #tpu.memory_space<vmem_shared>>
        tpu.enqueue_indirect_dma source(%arg9 : memref<128x128xf32, #tpu.memory_space<vmem>>) target(%dma_start3A_133 : memref<10240x128xf32, #tpu.memory_space<vmem_shared>>) offsets(%dma_start3A_130 : memref<128xi32, #tpu.memory_space<vmem>>) semaphore(%run_scoped3A_127 : memref<!tpu.dma_semaphore, #tpu.memory_space<semaphore_mem>>) {add = true}
        %dma_wait3A_134 = arith.constant 0 : i32
        %dma_wait3A_135 = tpu.memref_slice %arg7[%run_scoped3A_125, %dma_wait3A_134] : memref<2x128xi32, #tpu.memory_space<vmem>> -> memref<1x128xi32, #tpu.memory_space<vmem>>
        %dma_wait3A_136 = tpu.memref_squeeze %dma_wait3A_135 : memref<1x128xi32, #tpu.memory_space<vmem>> -> memref<128xi32, #tpu.memory_space<vmem>>
        %dma_wait3A_137 = arith.constant 0 : i32
        %dma_wait3A_138 = arith.constant 0 : i32
        %dma_wait3A_139 = tpu.memref_slice %arg10[%dma_wait3A_137, %dma_wait3A_138] : memref<10240x128xf32, #tpu.memory_space<vmem_shared>> -> memref<10240x128xf32, #tpu.memory_space<vmem_shared>>
        tpu.wait_indirect_dma semaphore(%run_scoped3A_127 : memref<!tpu.dma_semaphore, #tpu.memory_space<semaphore_mem>>) src(%arg9 : memref<128x128xf32, #tpu.memory_space<vmem>>) dst(%dma_wait3A_139 : memref<10240x128xf32, #tpu.memory_space<vmem_shared>>)
        tpu.yield
      }) : () -> ()
      %while3A_126 = arith.constant 0 : i32
      scf.yield %while3A_126 : i32
    }
    %jit3A_59 = arith.constant 2 : i32
    %eq3A_60 = arith.constant 0 : i32
    %eq3A_61 = arith.cmpi eq, %jit3A_59, %eq3A_60 : i32
    %jit3A_62 = arith.constant 1 : i32
    %select_n3A_63 = arith.select %eq3A_61, %jit3A_62, %jit3A_59 : i32
    %rem3A_64 = arith.remsi %select_n3A, %select_n3A_63 : i32
    %ne3A_65 = arith.constant 0 : i32
    %ne3A_66 = arith.cmpi ne, %rem3A_64, %ne3A_65 : i32
    %lt3A = arith.constant 0 : i32
    %lt3A_67 = arith.cmpi slt, %rem3A_64, %lt3A : i32
    %lt3A_68 = arith.constant 0 : i32
    %lt3A_69 = arith.cmpi slt, %select_n3A_63, %lt3A_68 : i32
    %ne3A_70 = arith.xori %lt3A_67, %lt3A_69 : i1
    %and3A_71 = arith.andi %ne3A_70, %ne3A_66 : i1
    %add3A_72 = arith.addi %rem3A_64, %select_n3A_63 : i32
    %select_n3A_73 = arith.select %and3A_71, %add3A_72, %rem3A_64 : i32
    %eq3A_74 = arith.constant 1 : i32
    %eq3A_75 = arith.cmpi eq, %select_n3A_73, %eq3A_74 : i32
    %convert_element_type3A = arith.extui %eq3A_75 : i1 to i32
    %cond3A = arith.constant 0 : i32
    %cond3A_76 = arith.cmpi ne, %convert_element_type3A, %cond3A : i32
    scf.if %cond3A_76 {
      %dma_wait3A = arith.constant 0 : i32
      %dma_wait3A_80 = arith.constant 0 : i32
      %dma_wait3A_81 = tpu.memref_slice %arg6[%dma_wait3A, %dma_wait3A_80] : memref<2x128xi32, #tpu.memory_space<vmem>> -> memref<1x128xi32, #tpu.memory_space<vmem>>
      %dma_wait3A_82 = tpu.memref_squeeze %dma_wait3A_81 : memref<1x128xi32, #tpu.memory_space<vmem>> -> memref<128xi32, #tpu.memory_space<vmem>>
      %dma_wait3A_83 = arith.constant 0 : i32
      %dma_wait3A_84 = arith.constant 0 : i32
      %dma_wait3A_85 = tpu.memref_slice %arg2[%dma_wait3A_83, %dma_wait3A_84] : memref<10240x128xf32, #tpu.memory_space<hbm>> -> memref<10240x128xf32, #tpu.memory_space<hbm>>
      tpu.wait_indirect_dma semaphore(%arg11 : memref<!tpu.dma_semaphore, #tpu.memory_space<semaphore_mem>>) src(%dma_wait3A_85 : memref<10240x128xf32, #tpu.memory_space<hbm>>) dst(%arg8 : memref<128x128xf32, #tpu.memory_space<vmem>>)
      %run_scoped3A = arith.constant 0 : i32
      "tpu.region"() ({
        %run_scoped3A_86 = tpu.sem_alloc : memref<!tpu.dma_semaphore, #tpu.memory_space<semaphore_mem>>
        %dma_start3A_87 = arith.constant 0 : i32
        %dma_start3A_88 = tpu.memref_slice %arg7[%run_scoped3A, %dma_start3A_87] : memref<2x128xi32, #tpu.memory_space<vmem>> -> memref<1x128xi32, #tpu.memory_space<vmem>>
        %dma_start3A_89 = tpu.memref_squeeze %dma_start3A_88 : memref<1x128xi32, #tpu.memory_space<vmem>> -> memref<128xi32, #tpu.memory_space<vmem>>
        %dma_start3A_90 = arith.constant 0 : i32
        %dma_start3A_91 = arith.constant 0 : i32
        %dma_start3A_92 = tpu.memref_slice %arg10[%dma_start3A_90, %dma_start3A_91] : memref<10240x128xf32, #tpu.memory_space<vmem_shared>> -> memref<10240x128xf32, #tpu.memory_space<vmem_shared>>
        tpu.enqueue_indirect_dma source(%arg8 : memref<128x128xf32, #tpu.memory_space<vmem>>) target(%dma_start3A_92 : memref<10240x128xf32, #tpu.memory_space<vmem_shared>>) offsets(%dma_start3A_89 : memref<128xi32, #tpu.memory_space<vmem>>) semaphore(%run_scoped3A_86 : memref<!tpu.dma_semaphore, #tpu.memory_space<semaphore_mem>>) {add = true}
        %dma_wait3A_93 = arith.constant 0 : i32
        %dma_wait3A_94 = tpu.memref_slice %arg7[%run_scoped3A, %dma_wait3A_93] : memref<2x128xi32, #tpu.memory_space<vmem>> -> memref<1x128xi32, #tpu.memory_space<vmem>>
        %dma_wait3A_95 = tpu.memref_squeeze %dma_wait3A_94 : memref<1x128xi32, #tpu.memory_space<vmem>> -> memref<128xi32, #tpu.memory_space<vmem>>
        %dma_wait3A_96 = arith.constant 0 : i32
        %dma_wait3A_97 = arith.constant 0 : i32
        %dma_wait3A_98 = tpu.memref_slice %arg10[%dma_wait3A_96, %dma_wait3A_97] : memref<10240x128xf32, #tpu.memory_space<vmem_shared>> -> memref<10240x128xf32, #tpu.memory_space<vmem_shared>>
        tpu.wait_indirect_dma semaphore(%run_scoped3A_86 : memref<!tpu.dma_semaphore, #tpu.memory_space<semaphore_mem>>) src(%arg8 : memref<128x128xf32, #tpu.memory_space<vmem>>) dst(%dma_wait3A_98 : memref<10240x128xf32, #tpu.memory_space<vmem_shared>>)
        tpu.yield
      }) : () -> ()
    } else {
    }
    %barrier3A_77 = arith.constant 0 : index
    tpu.barrier barrier_id(%barrier3A_77)
    %mul3A_78 = arith.constant 640 : i32
    %mul3A_79 = arith.muli %arg1, %mul3A_78 : i32
    "tpu.region"() ({
      %run_scoped3A = tpu.sem_alloc : memref<!tpu.dma_semaphore, #tpu.memory_space<semaphore_mem>>
      %dma_start3A_80 = arith.constant 0 : i32
      %dma_start3A_81 = arith.constant 0 : i32
      %dma_start3A_82 = tpu.memref_slice %arg4[%arg0, %arg1, %dma_start3A_80, %dma_start3A_81] : memref<2x16x640x128xf32, #tpu.memory_space<hbm>> -> memref<1x1x640x128xf32, #tpu.memory_space<hbm>>
      %dma_start3A_83 = tpu.memref_squeeze %dma_start3A_82 : memref<1x1x640x128xf32, #tpu.memory_space<hbm>> -> memref<640x128xf32, #tpu.memory_space<hbm>>
      %dma_start3A_84 = arith.constant 0 : i32
      %dma_start3A_85 = tpu.memref_slice %arg10[%mul3A_79, %dma_start3A_84] : memref<10240x128xf32, #tpu.memory_space<vmem_shared>> -> memref<640x128xf32, #tpu.memory_space<vmem_shared>>
      tpu.enqueue_dma source(%dma_start3A_85 : memref<640x128xf32, #tpu.memory_space<vmem_shared>>) target(%dma_start3A_83 : memref<640x128xf32, #tpu.memory_space<hbm>>) target_semaphore(%run_scoped3A : memref<!tpu.dma_semaphore, #tpu.memory_space<semaphore_mem>>)
      %dma_wait3A = arith.constant 0 : i32
      %dma_wait3A_86 = arith.constant 0 : i32
      %dma_wait3A_87 = tpu.memref_slice %arg4[%arg0, %arg1, %dma_wait3A, %dma_wait3A_86] : memref<2x16x640x128xf32, #tpu.memory_space<hbm>> -> memref<1x1x640x128xf32, #tpu.memory_space<hbm>>
      %dma_wait3A_88 = tpu.memref_squeeze %dma_wait3A_87 : memref<1x1x640x128xf32, #tpu.memory_space<hbm>> -> memref<640x128xf32, #tpu.memory_space<hbm>>
      %dma_wait3A_89 = arith.constant 0 : i32
      %dma_wait3A_90 = tpu.memref_slice %arg10[%mul3A_79, %dma_wait3A_89] : memref<10240x128xf32, #tpu.memory_space<vmem_shared>> -> memref<640x128xf32, #tpu.memory_space<vmem_shared>>
      tpu.wait_dma2 semaphore(%run_scoped3A : memref<!tpu.dma_semaphore, #tpu.memory_space<semaphore_mem>>) src(%dma_wait3A_90 : memref<640x128xf32, #tpu.memory_space<vmem_shared>>) dst(%dma_wait3A_88 : memref<640x128xf32, #tpu.memory_space<hbm>>)
      tpu.yield
    }) : () -> ()
    return
  }
}

module attributes {stable_mosaic.version = 14 : i64} {
  func.func @_dense_body(%arg0: i32, %arg1: memref<1280x128xf32, #tpu.memory_space<vmem>>, %arg2: memref<128x128xf32, #tpu.memory_space<vmem>>, %arg3: memref<1x128xf32, #tpu.memory_space<vmem>>, %arg4: memref<1280x1xf32, #tpu.memory_space<vmem>>, %arg5: memref<1280x1xf32, #tpu.memory_space<vmem>>, %arg6: memref<1280x128xf32, #tpu.memory_space<vmem>>, %arg7: memref<1280x1xf32, #tpu.memory_space<vmem>>, %arg8: memref<1280x128xf32, #tpu.memory_space<vmem>>) attributes {dimension_semantics = [#tpu.dimension_semantics<arbitrary>], iteration_bounds = array<i64: 8>, scalar_prefetch = 0 : i64, scratch_operands = 0 : i64, tpu.core_type = #tpu.core_type<tc>, window_params = [{transform_indices = @transform_0, window_bounds = array<i64: 1280, 128>}, {pipeline_mode = #tpu.pipeline_mode<synchronous>, transform_indices = @transform_1, window_bounds = array<i64: 128, 128>}, {pipeline_mode = #tpu.pipeline_mode<synchronous>, transform_indices = @transform_2, window_bounds = array<i64: 1, 128>}, {transform_indices = @transform_3, window_bounds = array<i64: 1280, 1>}, {transform_indices = @transform_4, window_bounds = array<i64: 1280, 1>}, {transform_indices = @transform_5, window_bounds = array<i64: 1280, 128>}, {transform_indices = @transform_6, window_bounds = array<i64: 1280, 1>}, {transform_indices = @transform_7, window_bounds = array<i64: 1280, 128>}]} {
    %get3A = arith.constant 0 : index
    %get3A_0 = arith.constant 0 : index
    %get3A_1 = vector.load %arg1[%get3A, %get3A_0] : memref<1280x128xf32, #tpu.memory_space<vmem>>, vector<1280x128xf32>
    %get3A_2 = arith.constant 0 : index
    %get3A_3 = arith.constant 0 : index
    %get3A_4 = vector.load %arg2[%get3A_2, %get3A_3] : memref<128x128xf32, #tpu.memory_space<vmem>>, vector<128x128xf32>
    %dot_general3A = arith.constant dense<0.000000e+00> : vector<1280x128xf32>
    %dot_general3A_5 = tpu.matmul %get3A_1, %get3A_4, %dot_general3A {dimension_numbers = #tpu.dot_dimension_numbers<[1], [0], [0], [1], [0, 0, 1, 1], [], []>, transpose_lhs_hint = false} : vector<1280x128xf32>, vector<128x128xf32>, vector<1280x128xf32> -> vector<1280x128xf32>
    %get3A_6 = arith.constant 0 : index
    %get3A_7 = arith.constant 0 : index
    %get3A_8 = vector.load %arg4[%get3A_6, %get3A_7] : memref<1280x1xf32, #tpu.memory_space<vmem>>, vector<1280x1xf32>
    %get3A_9 = arith.constant 0 : index
    %get3A_10 = arith.constant 0 : index
    %get3A_11 = vector.load %arg5[%get3A_9, %get3A_10] : memref<1280x1xf32, #tpu.memory_space<vmem>>, vector<1280x1xf32>
    %add3A = arith.addf %get3A_8, %get3A_11 : vector<1280x1xf32>
    %add3A_12 = arith.constant 1.000000e+00 : f32
    %add3A_13 = vector.broadcast %add3A_12 : f32 to vector<1280x1xf32>
    %add3A_14 = arith.addf %add3A, %add3A_13 : vector<1280x1xf32>
    %max3A = arith.constant 1.000000e+00 : f32
    %max3A_15 = vector.broadcast %max3A : f32 to vector<1280x1xf32>
    %max3A_16 = arith.maximumf %add3A_14, %max3A_15 : vector<1280x1xf32>
    %rsqrt3A = math.rsqrt %max3A_16 : vector<1280x1xf32>
    %mul3A = vector.broadcast %rsqrt3A : vector<1280x1xf32> to vector<1280x128xf32>
    %mul3A_17 = arith.mulf %dot_general3A_5, %mul3A : vector<1280x128xf32>
    %swap3A = arith.constant 0 : index
    %swap3A_18 = arith.constant 0 : index
    %swap3A_19 = vector.load %arg6[%swap3A, %swap3A_18] : memref<1280x128xf32, #tpu.memory_space<vmem>>, vector<1280x128xf32>
    tpu.vector_store %arg6[%swap3A, %swap3A_18], %mul3A_17 {strides = array<i32>} : memref<1280x128xf32, #tpu.memory_space<vmem>>, vector<1280x128xf32>,
    %swap3A_20 = arith.constant 0 : index
    %swap3A_21 = arith.constant 0 : index
    %swap3A_22 = vector.load %arg7[%swap3A_20, %swap3A_21] : memref<1280x1xf32, #tpu.memory_space<vmem>>, vector<1280x1xf32>
    tpu.vector_store %arg7[%swap3A_20, %swap3A_21], %rsqrt3A {strides = array<i32>} : memref<1280x1xf32, #tpu.memory_space<vmem>>, vector<1280x1xf32>,
    %mul3A_23 = arith.mulf %rsqrt3A, %rsqrt3A : vector<1280x1xf32>
    %mul3A_24 = vector.broadcast %mul3A_23 : vector<1280x1xf32> to vector<1280x128xf32>
    %mul3A_25 = arith.mulf %dot_general3A_5, %mul3A_24 : vector<1280x128xf32>
    %get3A_26 = arith.constant 0 : index
    %get3A_27 = arith.constant 0 : index
    %get3A_28 = vector.load %arg3[%get3A_26, %get3A_27] : memref<1x128xf32, #tpu.memory_space<vmem>>, vector<1x128xf32>
    %add3A_29 = vector.broadcast %get3A_28 : vector<1x128xf32> to vector<1280x128xf32>
    %add3A_30 = arith.addf %mul3A_25, %add3A_29 : vector<1280x128xf32>
    %swap3A_31 = arith.constant 0 : index
    %swap3A_32 = arith.constant 0 : index
    %swap3A_33 = vector.load %arg8[%swap3A_31, %swap3A_32] : memref<1280x128xf32, #tpu.memory_space<vmem>>, vector<1280x128xf32>
    tpu.vector_store %arg8[%swap3A_31, %swap3A_32], %add3A_30 {strides = array<i32>} : memref<1280x128xf32, #tpu.memory_space<vmem>>, vector<1280x128xf32>,
    return
  }
  func.func @transform_0(%arg0: i32) -> (i32, i32) {
    %c0_i32 = arith.constant 0 : i32
    %c0_i32_0 = arith.constant 0 : i32
    return %arg0, %c0_i32 : i32, i32
  }
  func.func @transform_1(%arg0: i32) -> (i32, i32) {
    %c0_i32 = arith.constant 0 : i32
    %c0_i32_0 = arith.constant 0 : i32
    %c0_i32_1 = arith.constant 0 : i32
    return %c0_i32, %c0_i32_0 : i32, i32
  }
  func.func @transform_2(%arg0: i32) -> (i32, i32) {
    %c0_i32 = arith.constant 0 : i32
    %c0_i32_0 = arith.constant 0 : i32
    %c0_i32_1 = arith.constant 0 : i32
    return %c0_i32, %c0_i32_0 : i32, i32
  }
  func.func @transform_3(%arg0: i32) -> (i32, i32) {
    %c0_i32 = arith.constant 0 : i32
    %c0_i32_0 = arith.constant 0 : i32
    return %arg0, %c0_i32 : i32, i32
  }
  func.func @transform_4(%arg0: i32) -> (i32, i32) {
    %c0_i32 = arith.constant 0 : i32
    %c0_i32_0 = arith.constant 0 : i32
    return %arg0, %c0_i32 : i32, i32
  }
  func.func @transform_5(%arg0: i32) -> (i32, i32) {
    %c0_i32 = arith.constant 0 : i32
    %c0_i32_0 = arith.constant 0 : i32
    return %arg0, %c0_i32 : i32, i32
  }
  func.func @transform_6(%arg0: i32) -> (i32, i32) {
    %c0_i32 = arith.constant 0 : i32
    %c0_i32_0 = arith.constant 0 : i32
    return %arg0, %c0_i32 : i32, i32
  }
  func.func @transform_7(%arg0: i32) -> (i32, i32) {
    %c0_i32 = arith.constant 0 : i32
    %c0_i32_0 = arith.constant 0 : i32
    return %arg0, %c0_i32 : i32, i32
  }
}

module attributes {stable_mosaic.version = 14 : i64} {
  func.func @_final_body(%arg0: i32, %arg1: memref<1280x128xf32, #tpu.memory_space<vmem>>, %arg2: memref<1280x128xf32, #tpu.memory_space<vmem>>, %arg3: memref<1280x1xf32, #tpu.memory_space<vmem>>, %arg4: memref<1280x128xf32, #tpu.memory_space<vmem>>, %arg5: memref<1280x128xf32, #tpu.memory_space<vmem>>) attributes {dimension_semantics = [#tpu.dimension_semantics<arbitrary>], iteration_bounds = array<i64: 8>, scalar_prefetch = 0 : i64, scratch_operands = 0 : i64, tpu.core_type = #tpu.core_type<tc>, window_params = [{transform_indices = @transform_0, window_bounds = array<i64: 1280, 128>}, {transform_indices = @transform_1, window_bounds = array<i64: 1280, 128>}, {transform_indices = @transform_2, window_bounds = array<i64: 1280, 1>}, {transform_indices = @transform_3, window_bounds = array<i64: 1280, 128>}, {transform_indices = @transform_4, window_bounds = array<i64: 1280, 128>}]} {
    %get3A = arith.constant 0 : index
    %get3A_0 = arith.constant 0 : index
    %get3A_1 = vector.load %arg3[%get3A, %get3A_0] : memref<1280x1xf32, #tpu.memory_space<vmem>>, vector<1280x1xf32>
    %get3A_2 = arith.constant 0 : index
    %get3A_3 = arith.constant 0 : index
    %get3A_4 = vector.load %arg1[%get3A_2, %get3A_3] : memref<1280x128xf32, #tpu.memory_space<vmem>>, vector<1280x128xf32>
    %get3A_5 = arith.constant 0 : index
    %get3A_6 = arith.constant 0 : index
    %get3A_7 = vector.load %arg2[%get3A_5, %get3A_6] : memref<1280x128xf32, #tpu.memory_space<vmem>>, vector<1280x128xf32>
    %add3A = arith.addf %get3A_4, %get3A_7 : vector<1280x128xf32>
    %mul3A = vector.broadcast %get3A_1 : vector<1280x1xf32> to vector<1280x128xf32>
    %mul3A_8 = arith.mulf %mul3A, %add3A : vector<1280x128xf32>
    %get3A_9 = arith.constant 0 : index
    %get3A_10 = arith.constant 0 : index
    %get3A_11 = vector.load %arg4[%get3A_9, %get3A_10] : memref<1280x128xf32, #tpu.memory_space<vmem>>, vector<1280x128xf32>
    %add3A_12 = arith.addf %mul3A_8, %get3A_11 : vector<1280x128xf32>
    %swap3A = arith.constant 0 : index
    %swap3A_13 = arith.constant 0 : index
    %swap3A_14 = vector.load %arg5[%swap3A, %swap3A_13] : memref<1280x128xf32, #tpu.memory_space<vmem>>, vector<1280x128xf32>
    tpu.vector_store %arg5[%swap3A, %swap3A_13], %add3A_12 {strides = array<i32>} : memref<1280x128xf32, #tpu.memory_space<vmem>>, vector<1280x128xf32>,
    return
  }
  func.func @transform_0(%arg0: i32) -> (i32, i32) {
    %c0_i32 = arith.constant 0 : i32
    %c0_i32_0 = arith.constant 0 : i32
    return %arg0, %c0_i32 : i32, i32
  }
  func.func @transform_1(%arg0: i32) -> (i32, i32) {
    %c0_i32 = arith.constant 0 : i32
    %c0_i32_0 = arith.constant 0 : i32
    return %arg0, %c0_i32 : i32, i32
  }
  func.func @transform_2(%arg0: i32) -> (i32, i32) {
    %c0_i32 = arith.constant 0 : i32
    %c0_i32_0 = arith.constant 0 : i32
    return %arg0, %c0_i32 : i32, i32
  }
  func.func @transform_3(%arg0: i32) -> (i32, i32) {
    %c0_i32 = arith.constant 0 : i32
    %c0_i32_0 = arith.constant 0 : i32
    return %arg0, %c0_i32 : i32, i32
  }
  func.func @transform_4(%arg0: i32) -> (i32, i32) {
    %c0_i32 = arith.constant 0 : i32
    %c0_i32_0 = arith.constant 0 : i32
    return %arg0, %c0_i32 : i32, i32
  }
}

</mosaic_0001>

<sc_bundles>
// kernel: kernel.6.cloned.1.call-start
scs
__scs_entry_jumppad:
0x0: {  	(pc) =	sbr.rel $0x88, $3  }
0x1: {  	(tag) =	ssettag $0x0;
	lr =	simm.s32 $0x1  }
0x2: {  	[smem:$0x3F9D] =	sst lr;
	_ =	strace $0xD0000000  }
0x3: {  	_ = 	snop  }
0x4: {  	_ = 	snop  }
0x5: {  	_ = 	snop  }
0x6: {  	_ = 	snop  }
0x7: {  	_ = 	snop  }
__scs_overlays_trampoline_lowered:
0x8: {  	[smem:$0x3FAC] =	sst s0  }
0x9: {  	[smem:$0x3FAD] =	sst s1  }
0xa: {  	[smem:$0x3FAE] =	sst s2  }
0xb: {  	[smem:$0x3FAF] =	sst s3  }
0xc: {  	[smem:$0x3FB0] =	sst s4  }
0xd: {  	[smem:$0x3FB1] =	sst s5  }
0xe: {  	[smem:$0x3FB2] =	sst s6  }
0xf: {  	[smem:$0x3FB3] =	sst s7  }
0x10: {  	[smem:$0x3FB4] =	sst s8  }
0x11: {  	[smem:$0x3FB5] =	sst s9;
	s0 =	simm.s32 @!p0 $0x0  }
0x12: {  	s1 =	sld [smem:$0x3F9B];
	s0 =	simm.s32 @p0 $0x1  }
0x13: {  	[smem:$0x3FB6] =	sst s0;
	s0 =	simm.s32 @!p1 $0x0  }
0x14: {  	s2 =	sld [smem:$0x3F9A];
	s0 =	simm.s32 @p1 $0x1  }
0x15: {  	[smem:$0x3FB7] =	sst s0;
	s0 =	simm.s32 @!p2 $0x0  }
0x16: {  	s3 =	sld [smem:$0x3FDB];
	s0 =	simm.s32 @p2 $0x1  }
0x17: {  	s4 =	simm.s32 $0x1BF5;
	[smem:$0x3FB9] =	sst s0  }
0x18: {  	s0 =	sld [smem:$0x3F9C];
	_ =	swait.ge [sflag:s4], $0x0  }
0x19: {  	s7 =	sld [smem:$0x3F9D]  }
0x1a: {  	s8 =	sadd.s32 $0xFFFFE003, lr  }
0x1b: {  	s9 =	sadd.s32 $0xFFFFFEF7, lr;
	s5 =	simm.s32 $0xFFFFFFFF;
	p2 =	slt.u32 s8, $0xFFFFF086  }
0x1c: {  	p1 =	slt.u32 s9, $0xF7A;
	s5 =	simm.s32 @!p2 $0x0  }
0x1d: {  	s5 =	simm.s32 @p1 $0x1;
	p0 =	seq.s32 s7, s2  }
0x1e: {  	s7 =	smul.u32 @!p0 $0xF7A, s2;
	p2 =	seq.s32 @!p0 s5, $0x0  }
0x1f: {  	s9 =	smul.u32 $0xF7A, s1;
	s8 =	simm.s32 @!p0 $0x1BF5;
	p2 =	por !p2, p0  }
0x20: {  	[sflag:s8] =	ssyncset.s32 @!p0 $0xFFFFF086;
	s6 =	sadd.s32 @!p0 s3, s7;
	s7 =	simm.s32 @!p0 $0x108  }
0x21: {  	s3 =	sadd.s32 s3, s9;
	s6 =	sadd.s32 @!p0 $0x88, s6;
	s7 =	simm.s32 @p2 $0x1082  }
0x22: {  	[simem:s7], [sflag:s8] =	dma.local @!p0 [hbm:s6], $0xF7A  }
0x23: {  	s9 =	sor.u32 $0xD0000000, s2;
	s6 =	simm.s32 $0x108;
	_ =	swait.ge @!p0 [sflag:s8], $0x0  }
0x24: {  	s3 =	sadd.s32 $0x88, s3;
	s6 =	simm.s32 @!p1 $0x1082;
	[sflag:s4] =	ssyncset.s32 $0xFFFFF086  }
0x25: {  	[simem:s6], [sflag:s4] =	dma.local [hbm:s3], $0xF7A  }
0x26: {  	[smem:$0x3F9D] =	sst s1;
	(tag) =	ssettag s2;
	_ =	strace s9  }
0x27: {  	s1 =	sld [smem:$0x3FAD]  }
0x28: {  	s2 =	sld [smem:$0x3FAE]  }
0x29: {  	s4 =	sld [smem:$0x3FB0]  }
0x2a: {  	p0 =	seq.s32 s5, $0x0;
	s5 =	sld [smem:$0x3FB1]  }
0x2b: {  	s6 =	sld [smem:$0x3FB2]  }
0x2c: {  	s7 =	sld [smem:$0x3FB3]  }
0x2d: {  	s3 =	simm.s32 $0x108;
	s8 =	sld [smem:$0x3FB4]  }
0x2e: {  	s3 =	simm.s32 @!p0 $0x1082;
	s9 =	sld [smem:$0x3FB5]  }
0x2f: {  	lr =	sadd.s32 s0, s3;
	s0 =	sld [smem:$0x3FAC]  }
0x30: {  	s3 =	sld [smem:$0x3FAF]  }
0x31: {  	[smem:$0x3FB8] =	sst s10  }
0x32: {  	s10 =	sld [smem:$0x3FB6];
	_ =	sdelay $0x3  }
0x33: {  	p0 =	seq.s32 s10, $0x1;
	s10 =	sld [smem:$0x3FB8];
	_ =	sdelay $0x3  }
0x34: {  	[smem:$0x3FB8] =	sst s10  }
0x35: {  	s10 =	sld [smem:$0x3FB7];
	_ =	sdelay $0x3  }
0x36: {  	p1 =	seq.s32 s10, $0x1;
	s10 =	sld [smem:$0x3FB8];
	_ =	sdelay $0x3  }
0x37: {  	[smem:$0x3FB8] =	sst s10  }
0x38: {  	s10 =	sld [smem:$0x3FB9]  }
0x39: {  	_ = 	snop;
	(pc) =	sbr.ind lr, $3  }
0x3a: {  	_ = 	snop  }
0x3b: {  	_ = 	snop  }
0x3c: {  	p2 =	seq.s32 s10, $0x1;
	s10 =	sld [smem:$0x3FB8]  }
0x3d: {  	_ =	shalt  }
0x3e: {  	_ =	shalt  }
0x3f: {  	_ =	shalt  }
0x40: {  	_ =	shalt  }
0x41: {  	_ =	shalt  }
0x42: {  	_ =	shalt  }
0x43: {  	_ =	shalt  }
0x44: {  	_ =	shalt  }
0x45: {  	_ =	shalt  }
0x46: {  	_ =	shalt  }
0x47: {  	_ =	shalt  }
0x48: {  	_ =	shalt  }
0x49: {  	_ =	shalt  }
0x4a: {  	_ =	shalt  }
0x4b: {  	_ =	shalt  }
0x4c: {  	_ =	shalt  }
0x4d: {  	_ =	shalt  }
0x4e: {  	_ =	shalt  }
0x4f: {  	_ =	shalt  }
0x50: {  	_ =	shalt  }
0x51: {  	_ =	shalt  }
0x52: {  	_ =	shalt  }
0x53: {  	_ =	shalt  }
0x54: {  	_ =	shalt  }
0x55: {  	_ =	shalt  }
0x56: {  	_ =	shalt  }
0x57: {  	_ =	shalt  }
0x58: {  	_ =	shalt  }
0x59: {  	_ =	shalt  }
0x5a: {  	_ =	shalt  }
0x5b: {  	_ =	shalt  }
0x5c: {  	_ =	shalt  }
0x5d: {  	_ =	shalt  }
0x5e: {  	_ =	shalt  }
0x5f: {  	_ =	shalt  }
0x60: {  	_ =	shalt  }
0x61: {  	_ =	shalt  }
0x62: {  	_ =	shalt  }
0x63: {  	_ =	shalt  }
0x64: {  	_ =	shalt  }
0x65: {  	_ =	shalt  }
0x66: {  	_ =	shalt  }
0x67: {  	_ =	shalt  }
0x68: {  	_ =	shalt  }
0x69: {  	_ =	shalt  }
0x6a: {  	_ =	shalt  }
0x6b: {  	_ =	shalt  }
0x6c: {  	_ =	shalt  }
0x6d: {  	_ =	shalt  }
0x6e: {  	_ =	shalt  }
0x6f: {  	_ =	shalt  }
0x70: {  	_ =	shalt  }
0x71: {  	_ =	shalt  }
0x72: {  	_ =	shalt  }
0x73: {  	_ =	shalt  }
0x74: {  	_ =	shalt  }
0x75: {  	_ =	shalt  }
0x76: {  	_ =	shalt  }
0x77: {  	_ =	shalt  }
0x78: {  	_ =	shalt  }
0x79: {  	_ =	shalt  }
0x7a: {  	_ =	shalt  }
0x7b: {  	_ =	shalt  }
0x7c: {  	_ =	shalt  }
0x7d: {  	_ =	shalt  }
0x7e: {  	_ =	shalt  }
0x7f: {  	_ =	shalt  }
0x80: {  	_ =	shalt  }
0x81: {  	_ =	shalt  }
0x82: {  	_ =	shalt  }
0x83: {  	_ =	shalt  }
0x84: {  	_ =	shalt  }
0x85: {  	_ =	shalt  }
0x86: {  	_ =	shalt  }
0x87: {  	_ =	shalt  }
.Lfunc_end0:
.L_simem_size_0:
called_computation_lowered:
.L_overlay_start_0:
0x88: {  	s2 =	sld [smem:$0x3FD9]  }
0x89: {  	s3 =	sld [smem:$0x3FFE];
	_ =	sdelay $0x1  }
0x8a: {  	s1 =	srdreg.scid  }
0x8b: {  	s0 =	sand.u32 $0x1, s1  }
0x8c: {  	s17 =	sshll.u32 s0, $0xA;
	s2 =	sadd.s32 s3, s2  }
0x8d: {  	s2 =	sadd.s32 s2, s17  }
0x8e: {  	[smem:$0x3FC4] =	sst s2  }
0x8f: {  	_ = 	snop  }
0x90: {  	s2 =	sld [smem:$0x3FD0];
	(tm) =	ssettm $0x1  }
0x91: {  	s18 =	sld [smem:$0x3FFB];
	_ =	sdelay $0x3  }
0x92: {  	_ =	strace s18  }
0x93: {  	s3 =	sld [smem:$0x3FFC];
	_ =	sdelay $0x3  }
0x94: {  	_ =	strace s3  }
0x95: {  	s3 =	sld [smem:$0x3FFD];
	_ =	sdelay $0x3  }
0x96: {  	_ =	strace s3  }
0x97: {  	_ =	strace $0x8FFFFFFF  }
0x98: {  	s19 =	sld [smem:$0x3FDB];
	_ =	sdelay $0x1  }
0x99: {  	s4 =	simm.s32 $_scs_section_size  }
0x9a: {  	s5 =	simm.s32 $_size__tile_overlayer_lowered;
	s6 =	simm.s32 $_tile_overlayer_lowered  }
0x9b: {  	s22 =	simm.s32 $0x1BFF;
	s21 =	sshll.u32 s6, $0x1;
	s3 =	sadd.s32 s4, s19  }
0x9c: {  	s7 =	simm.s32 $0x0;
	s20 =	sshll.u32 s5, $0x1;
	s5 =	sadd.s32 s21, s3  }
0x9d: {  	[timem:s7], [sflag:s22] =	dma.local [hbm:s5], s20  }
0x9e: {  	_ =	swait.ge [sflag:s22], s20  }
0x9f: {  	s4 =	ssub.s32 $0x0, s20;
	[sflag:s22] =	ssyncset.done $0x0  }
0xa0: {  	[sflag:s22] =	ssyncadd.s32 s4;
	_ =	sdelay $0x1  }
0xa1: {  	s23 =	simm.s32 $0x1B8B  }
0xa2: {  	_ =	swait.ge [sflag:s23], $0x1  }
0xa3: {  	[sflag:s23] =	ssyncset.done $0x0  }
0xa4: {  	s25 =	simm.s32 $0x1B8E;
	s24 =	sld [smem:$0x3FFE];
	[sflag:s23] =	ssyncadd.s32 $0xFFFFFFFF  }
0xa5: {  	s26 =	simm.s32 $execute0_lowered;
	[smem:$0x3FD2] =	sst s25  }
0xa6: {  	s5 =	sshll.u32 s26, $0x1;
	_ =	strace $0x80000046;
	[dreg:$0x1] =	wrdreg $0xFFFFFFFF  }
0xa7: {  	s28 =	simm.s32 $_size_execute0_lowered;
	s3 =	sadd.s32 s3, s5;
	[dreg:$0x0] =	wrdreg $0x0  }
0xa8: {  	s5 =	sshll.u32 s28, $0x1;
	[dreg:$0x2] =	wrdreg s3  }
0xa9: {  	[dreg:$0x3] =	wrdreg s5  }
0xaa: {  	[dreg:$0x4] =	wrdreg $0xC0  }
0xab: {  	_ =	task [dreg:s7], $0x5FFFF  }
0xac: {  	[dreg:$0x1] =	wrdreg $0xFFFFFFFF  }
0xad: {  	[dreg:$0x0] =	wrdreg $0x60  }
0xae: {  	[dreg:$0x2] =	wrdreg s2  }
0xaf: {  	[dreg:$0x3] =	wrdreg s24  }
0xb0: {  	[dreg:$0x4] =	wrdreg $0x2B800  }
0xb1: {  	[dreg:$0x5] =	wrdreg $0x9  }
0xb2: {  	_ =	task.clear_ibuf [dreg:s7], $0x6FFFF;
	_ =	strace $0x90000046  }
0xb3: {  	s29 =	simm.s32 $0x9;
	_ =	strace $0x80000048  }
0xb4: {  	_ =	swait.ge [sflag:s29], $0x1  }
0xb5: {  	[sflag:s29] =	ssyncadd.s32 $0xFFFFFFFF  }
0xb6: {  	_ =	strace $0x90000048  }
0xb7: {  	_ =	sfence  }
0xb8: {  	s30 =	sld [smem:$0x0];
	_ =	sdelay $0x2  }
0xb9: {  	s31 =	sshll.u32 s1, $0xD;
	s1 =	sshrl.u32 s1, $0x2  }
0xba: {  	s3 =	sand.u32 $0x4000, s31;
	s1 =	sadd.s32 s1, s30  }
0xbb: {  	s0 =	sor.u32 s3, s0;
	s1 =	sshll.u32 s1, $0x11  }
0xbc: {  	s0 =	sor.u32 s1, s0  }
0xbd: {  	s0 =	sadd.s32 $0x8F2B, s0  }
0xbe: {  	[sflag:s0] =	ssyncadd.remote.s32 $0x1  }
0xbf: {  	_ =	sfence.sel $0xFFFF  }
0xc0: {  	[dreg:$0x0] =	wrdreg $0xFFFFFFFF;
	(pc) =	sbr.abs _section_cstart, $3  }
0xc1: {  	[dreg:$0x1] =	wrdreg $0xFFFFFFFF  }
0xc2: {  	_ =	task.clear_ibuf [dreg:s7], $0x2FFFF;
	_ =	strace $0x9FFFFFFF  }
0xc3: {  	(tm) =	ssettm $0x7FFFFFFF  }
tec
execute0_lowered:
.L_overlay_start_1:
0x0: {  	(tag) =	ssettag $0x1  }
0x1: {  	s6 =	rddreg [dreg:$0x0];
	s1 =	srdreg.scid  }
0x2: {  	s5 =	rddreg [dreg:$0x1];
	s0 =	stileid.u32  }
0x3: {  	s2 =	rddreg [dreg:$0x2];
	s3 =	simm.s32 $0x0;
	s13 =	simm.s32 $0x80  }
0x4: {  	s14 =	simm.s32 $0x2800;
	s17 =	simm.s32 $0x10;
	s18 =	simm.s32 $0x0  }
0x5: {  	s9 =	sand.u32 $0x1, s1;
	s7 =	sshrl.u32 s0, $0x3;
	s1 =	rddreg [dreg:$0x3]  }
0x6: {  	[smem:$0x7FF] =	sst s3;
	s8 =	sshll.u32 s0, $0x7;
	s11 =	smul.u32 $0xA00, s0  }
0x7: {  	s30 =	sshll.u32 s0, $0x1;
	s15 =	sshll.u32 s0, $0x6;
	s4 =	smul.u32 $0x2800, s9  }
0x8: {  	s7 =	smul.u32 $0x1400, s7;
	_ =	strace $0x80000047;
	s10 =	ssub.s32 $0x2, s9  }
0x9: {  	s8 =	sand.u32 $0x380, s8;
	s15 =	sor.u32 $0x1C01, s15;
	s12 =	sshrl.u32 s10, $0x1  }
0xa: {  	s31 =	sshrl.u32 s11, $0x2;
	s11 =	simm.s32 $0x1;
	s7 =	sadd.s32 s4, s7  }
0xb: {  	s4 =	sadd.s32 $0x1800, s5;
	s7 =	sor.u32 s8, s7;
	s8 =	sor.u32 s9, s30  }
0xc: {  	s10 =	ssub.s32 s10, s12;
	s7 =	sshrl.u32 s7, $0x3;
	s8 =	smul.u32 $0x500, s8  }
0xd: {  	s12 =	simm.s32 $0x2880;
	s9 =	sor.u32 $0x4E, s9;
	s7 =	sadd.s32 s7, s5  }
0xe: {  	s5 =	sadd.s32 s31, s2;
	s6 =	sadd.s32 s6, s8;
	s7 =	sadd.s32 $0x1A00, s7  }
0xf: {  	v0 =	vimm.f32 $0.0e+00;
	s8 =	smax.u32 s10, $0x1;
	s10 =	simm.s32 $0x2900;
	s16 =	sshrl.u32 s5, $0x3  }
.LBB2_1:
0x10: {  	[tilespmem:$0x2900] =	vst v0  }
0x11: {  	[tilespmem:$0x2910] =	vst v0  }
0x12: {  	[tilespmem:$0x2920] =	vst v0  }
0x13: {  	[tilespmem:$0x2930] =	vst v0  }
0x14: {  	[tilespmem:$0x2940] =	vst v0  }
0x15: {  	[tilespmem:$0x2950] =	vst v0  }
0x16: {  	[tilespmem:$0x2960] =	vst v0  }
0x17: {  	[tilespmem:$0x2970] =	vst v0  }
0x18: {  	[tilespmem:$0x2980] =	vst v0  }
0x19: {  	[tilespmem:$0x2990] =	vst v0  }
0x1a: {  	[tilespmem:$0x29A0] =	vst v0  }
0x1b: {  	[tilespmem:$0x29B0] =	vst v0  }
0x1c: {  	[tilespmem:$0x29C0] =	vst v0  }
0x1d: {  	[tilespmem:$0x29D0] =	vst v0  }
0x1e: {  	[tilespmem:$0x29E0] =	vst v0  }
0x1f: {  	[tilespmem:$0x29F0] =	vst v0  }
0x20: {  	[tilespmem:$0x2A00] =	vst v0  }
0x21: {  	[tilespmem:$0x2A10] =	vst v0  }
0x22: {  	[tilespmem:$0x2A20] =	vst v0  }
0x23: {  	[tilespmem:$0x2A30] =	vst v0  }
0x24: {  	[tilespmem:$0x2A40] =	vst v0  }
0x25: {  	[tilespmem:$0x2A50] =	vst v0  }
0x26: {  	[tilespmem:$0x2A60] =	vst v0  }
0x27: {  	[tilespmem:$0x2A70] =	vst v0  }
0x28: {  	[tilespmem:$0x2A80] =	vst v0  }
0x29: {  	[tilespmem:$0x2A90] =	vst v0  }
0x2a: {  	[tilespmem:$0x2AA0] =	vst v0  }
0x2b: {  	[tilespmem:$0x2AB0] =	vst v0  }
0x2c: {  	[tilespmem:$0x2AC0] =	vst v0  }
0x2d: {  	[tilespmem:$0x2AD0] =	vst v0  }
0x2e: {  	[tilespmem:$0x2AE0] =	vst v0  }
0x2f: {  	[tilespmem:$0x2AF0] =	vst v0  }
0x30: {  	[tilespmem:$0x2B00] =	vst v0  }
0x31: {  	[tilespmem:$0x2B10] =	vst v0  }
0x32: {  	[tilespmem:$0x2B20] =	vst v0  }
0x33: {  	[tilespmem:$0x2B30] =	vst v0  }
0x34: {  	[tilespmem:$0x2B40] =	vst v0  }
0x35: {  	[tilespmem:$0x2B50] =	vst v0  }
0x36: {  	[tilespmem:$0x2B60] =	vst v0  }
0x37: {  	[tilespmem:$0x2B70] =	vst v0  }
0x38: {  	[spmem:s5] =	stream.linear.scatter [tilespmem:s10], [sflag:$0x1], $0x280, $0x38;
	[tilespmem:$0x2E00] =	vst v63  }
0x39: {  	_ =	swait.ge [sflag:s11], $0x280  }
0x3a: {  	[sflag:s11] =	ssyncset.done $0x0  }
0x3b: {  	[sflag:s11] =	ssyncadd.s32 $0xFFFFFD80  }
0x3c: {  	[bflag:$0x0] =	sbarrier.arrive $0xFFFF  }
0x3d: {  	[tilespmem:s12], [sflag:$0x1] =	stream.linear.gather [hbm4b:s4+s3], $0x80, $0x38;
	[tilespmem:$0x2E00] =	vst v63  }
0x3e: {  	_ =	swait.ge [sflag:s11], $0x80  }
0x3f: {  	[sflag:s11] =	ssyncset.done $0x0  }
0x40: {  	[sflag:s11] =	ssyncadd.s32 $0xFFFFFF80  }
0x41: {  	[tilespmem:s3], [sflag:$0x1] =	stream.linear.gather [hbm4b:s6+s3], $0x2780, $0x38;
	[tilespmem:$0x2E00] =	vst v63  }
0x42: {  	_ =	swait.ge [sflag:s11], $0x2780  }
0x43: {  	[sflag:s11] =	ssyncset.done $0x0  }
0x44: {  	s19 =	simm.s32 $0x40;
	[sflag:s11] =	ssyncadd.s32 $0xFFFFD880  }
0x45: {  	v1 =	vld [tilespmem:s19+$0xFFFFFFC0];
	_ =	sdelay $0x4  }
0x46: {  	v1 =	vshrl.u32 v1, $0x10  }
0x47: {  	[tilespmem:$0x2800] =	vst v1  }
0x48: {  	v1 =	vld [tilespmem:s19+$0xFFFFFFD0];
	_ =	sdelay $0x4  }
0x49: {  	v1 =	vshrl.u32 v1, $0x10  }
0x4a: {  	[tilespmem:$0x2810] =	vst v1  }
0x4b: {  	v1 =	vld [tilespmem:s19+$0xFFFFFFE0];
	_ =	sdelay $0x4  }
0x4c: {  	v1 =	vshrl.u32 v1, $0x10  }
0x4d: {  	[tilespmem:$0x2820] =	vst v1  }
0x4e: {  	v1 =	vld [tilespmem:s19+$0xFFFFFFF0];
	_ =	sdelay $0x4  }
0x4f: {  	v1 =	vshrl.u32 v1, $0x10  }
0x50: {  	[tilespmem:$0x2830] =	vst v1  }
0x51: {  	v1 =	vld [tilespmem:s19+$0x0];
	_ =	sdelay $0x4  }
0x52: {  	v1 =	vshrl.u32 v1, $0x10  }
0x53: {  	[tilespmem:$0x2840] =	vst v1  }
0x54: {  	v1 =	vld [tilespmem:s19+$0x10];
	_ =	sdelay $0x4  }
0x55: {  	v1 =	vshrl.u32 v1, $0x10  }
0x56: {  	[tilespmem:$0x2850] =	vst v1  }
0x57: {  	v1 =	vld [tilespmem:s19+$0x20];
	_ =	sdelay $0x4  }
0x58: {  	v1 =	vshrl.u32 v1, $0x10  }
0x59: {  	[tilespmem:$0x2860] =	vst v1  }
0x5a: {  	v1 =	vld [tilespmem:s19+$0x30];
	_ =	sdelay $0x3  }
0x5b: {  	p0 =	sne.s32 s9, $0x1  }
.Ltmp0:
0x5c: {  	v1 =	vshrl.u32 v1, $0x10;
	(pc) =	sbr.rel @!p0 .LBB2_3-.Ltmp0, $4  }
0x5d: {  	[tilespmem:$0x2870] =	vst v1  }
0x5e: {  	[spmem:s2] =	stream.indirect.scatter.add.f32 [tilespmem:s12], [sflag:$0x1], $0x1, s14, s13, $0xb8;
	[tilespmem:$0x2E00] =	vst v63  }
0x5f: {  	_ =	swait.ge [sflag:s11], $0x80  }
0x60: {  	s20 =	sadd.s32 $0xFFFFFFFF, s9;
	[sflag:s11] =	ssyncset.done $0x0  }
.LBB2_2:
0x61: {  	p0 =	sne.s32 s20, $0x1;
	[sflag:s11] =	ssyncadd.s32 $0xFFFFFF80;
	s19 =	sadd.s32 $0x80, s19  }
0x62: {  	s20 =	sadd.s32 $0xFFFFFFFF, s20;
	v1 =	vld [tilespmem:s19+$0xFFFFFFC0];
	_ =	sdelay $0x4  }
0x63: {  	v1 =	vshrl.u32 v1, $0x10  }
0x64: {  	[tilespmem:$0x2800] =	vst v1  }
0x65: {  	v1 =	vld [tilespmem:s19+$0xFFFFFFD0];
	_ =	sdelay $0x4  }
0x66: {  	v1 =	vshrl.u32 v1, $0x10  }
0x67: {  	[tilespmem:$0x2810] =	vst v1  }
0x68: {  	v1 =	vld [tilespmem:s19+$0xFFFFFFE0];
	_ =	sdelay $0x4  }
0x69: {  	v1 =	vshrl.u32 v1, $0x10  }
0x6a: {  	[tilespmem:$0x2820] =	vst v1  }
0x6b: {  	v1 =	vld [tilespmem:s19+$0xFFFFFFF0];
	_ =	sdelay $0x4  }
0x6c: {  	v1 =	vshrl.u32 v1, $0x10  }
0x6d: {  	[tilespmem:$0x2830] =	vst v1  }
0x6e: {  	v1 =	vld [tilespmem:s19+$0x0];
	_ =	sdelay $0x4  }
0x6f: {  	v1 =	vshrl.u32 v1, $0x10  }
0x70: {  	[tilespmem:$0x2840] =	vst v1  }
0x71: {  	v1 =	vld [tilespmem:s19+$0x10];
	_ =	sdelay $0x4  }
0x72: {  	v1 =	vshrl.u32 v1, $0x10  }
0x73: {  	[tilespmem:$0x2850] =	vst v1  }
0x74: {  	v1 =	vld [tilespmem:s19+$0x20];
	_ =	sdelay $0x4  }
0x75: {  	v1 =	vshrl.u32 v1, $0x10  }
0x76: {  	[tilespmem:$0x2860] =	vst v1  }
0x77: {  	v1 =	vld [tilespmem:s19+$0x30];
	_ =	sdelay $0x4  }
.Ltmp1:
0x78: {  	v1 =	vshrl.u32 v1, $0x10;
	(pc) =	sbr.rel @p0 .LBB2_2-.Ltmp1, $4  }
0x79: {  	[tilespmem:$0x2870] =	vst v1  }
0x7a: {  	[spmem:s2] =	stream.indirect.scatter.add.f32 [tilespmem:s12], [sflag:$0x1], $0x1, s14, s13, $0xb8;
	[tilespmem:$0x2E00] =	vst v63  }
0x7b: {  	_ =	swait.ge [sflag:s11], $0x80  }
0x7c: {  	[sflag:s11] =	ssyncset.done $0x0  }
.LBB2_3:
0x7d: {  	s18 =	sadd.s32 $0x1, s18  }
0x7e: {  	[sflag:s11] =	ssyncadd.s32 $0xFFFFFF80;
	p0 =	sne.s32 s18, s8  }
.Ltmp2:
0x7f: {  	[bflag:$0x0] =	sbarrier.arrive $0xFFFF;
	(pc) =	sbr.rel @p0 .LBB2_1-.Ltmp2, $4  }
0x80: {  	[hbm:s7@s13], [sflag:s15] =	dma.strided [spmem:s16@s17], $0x50, s11, $0x10   }
0x81: {  	_ =	swait.ge [sflag:s11], $0x50  }
0x82: {  	[sflag:s11] =	ssyncset.done $0x0  }
0x83: {  	[sflag:s11] =	ssyncadd.s32 $0xFFFFFFB0  }
0x84: {  	_ =	sfence.sel $0x180000  }
0x85: {  	[bflag:$0x0] =	sbarrier.arrive $0xFFFF  }
0x86: {  	p0 =	sne.s32 s0, $0x0;
	_ =	strace $0x90000047  }
0x87: {  	s0 =	sadd.s32 @!p0 $0x100000, s1;
	[bflag:$0x2] =	sbarrier.arrive $0xFFFF  }
0x88: {  	[sflag:s0] =	ssyncadd.tile.s32 @!p0 $0x1;
	_ =	shalt  }
.Lfunc_end2:
_tile_overlayer_lowered:
.L_overlay_start_2:
0x89: {  	(tag) =	ssettag $0x2  }
0x8a: {  	s0 =	rddreg [dreg:$0x0];
	s2 =	stileid.u32  }
0x8b: {  	s1 =	rddreg [dreg:$0x1];
	p0 =	sne.s32 s2, $0x0  }
0x8c: {  	s3 =	rddreg [dreg:$0x2];
	[bflag:$0x3] =	sbarrier.arrive $0xFFFF;
	s2 =	simm.s32 @!p0 $0x1C01  }
0x8d: {  	[timem:s3], [sflag:s2] =	dma.local @!p0 [hbm:s0], s1  }
0x8e: {  	s0 =	simm.s32 @!p0 $0x1  }
0x8f: {  	_ =	swait.ge @!p0 [sflag:s0], s1  }
0x90: {  	s1 =	ssub.s32 @!p0 $0x0, s1;
	[sflag:s0] =	ssyncset.done @!p0 $0x0  }
0x91: {  	[sflag:s0] =	ssyncadd.s32 @!p0 s1  }
0x92: {  	[bflag:$0x3] =	sbarrier.arrive $0xFFFF  }
0x93: {  	_ =	shalt  }

// kernel: kernel.9.cloned.1.call-start
scs
__scs_entry_jumppad:
0x0: {  	(pc) =	sbr.rel $0x88, $3  }
0x1: {  	(tag) =	ssettag $0x0;
	lr =	simm.s32 $0x1  }
0x2: {  	[smem:$0x3F9D] =	sst lr;
	_ =	strace $0xD0000000  }
0x3: {  	_ = 	snop  }
0x4: {  	_ = 	snop  }
0x5: {  	_ = 	snop  }
0x6: {  	_ = 	snop  }
0x7: {  	_ = 	snop  }
__scs_overlays_trampoline_lowered:
0x8: {  	[smem:$0x3FAC] =	sst s0  }
0x9: {  	[smem:$0x3FAD] =	sst s1  }
0xa: {  	[smem:$0x3FAE] =	sst s2  }
0xb: {  	[smem:$0x3FAF] =	sst s3  }
0xc: {  	[smem:$0x3FB0] =	sst s4  }
0xd: {  	[smem:$0x3FB1] =	sst s5  }
0xe: {  	[smem:$0x3FB2] =	sst s6  }
0xf: {  	[smem:$0x3FB3] =	sst s7  }
0x10: {  	[smem:$0x3FB4] =	sst s8  }
0x11: {  	[smem:$0x3FB5] =	sst s9;
	s0 =	simm.s32 @!p0 $0x0  }
0x12: {  	s1 =	sld [smem:$0x3F9B];
	s0 =	simm.s32 @p0 $0x1  }
0x13: {  	[smem:$0x3FB6] =	sst s0;
	s0 =	simm.s32 @!p1 $0x0  }
0x14: {  	s2 =	sld [smem:$0x3F9A];
	s0 =	simm.s32 @p1 $0x1  }
0x15: {  	[smem:$0x3FB7] =	sst s0;
	s0 =	simm.s32 @!p2 $0x0  }
0x16: {  	s3 =	sld [smem:$0x3FDB];
	s0 =	simm.s32 @p2 $0x1  }
0x17: {  	s4 =	simm.s32 $0x1BF5;
	[smem:$0x3FB9] =	sst s0  }
0x18: {  	s0 =	sld [smem:$0x3F9C];
	_ =	swait.ge [sflag:s4], $0x0  }
0x19: {  	s7 =	sld [smem:$0x3F9D]  }
0x1a: {  	s8 =	sadd.s32 $0xFFFFE003, lr  }
0x1b: {  	s9 =	sadd.s32 $0xFFFFFEF7, lr;
	s5 =	simm.s32 $0xFFFFFFFF;
	p2 =	slt.u32 s8, $0xFFFFF086  }
0x1c: {  	p1 =	slt.u32 s9, $0xF7A;
	s5 =	simm.s32 @!p2 $0x0  }
0x1d: {  	s5 =	simm.s32 @p1 $0x1;
	p0 =	seq.s32 s7, s2  }
0x1e: {  	s7 =	smul.u32 @!p0 $0xF7A, s2;
	p2 =	seq.s32 @!p0 s5, $0x0  }
0x1f: {  	s9 =	smul.u32 $0xF7A, s1;
	s8 =	simm.s32 @!p0 $0x1BF5;
	p2 =	por !p2, p0  }
0x20: {  	[sflag:s8] =	ssyncset.s32 @!p0 $0xFFFFF086;
	s6 =	sadd.s32 @!p0 s3, s7;
	s7 =	simm.s32 @!p0 $0x108  }
0x21: {  	s3 =	sadd.s32 s3, s9;
	s6 =	sadd.s32 @!p0 $0x88, s6;
	s7 =	simm.s32 @p2 $0x1082  }
0x22: {  	[simem:s7], [sflag:s8] =	dma.local @!p0 [hbm:s6], $0xF7A  }
0x23: {  	s9 =	sor.u32 $0xD0000000, s2;
	s6 =	simm.s32 $0x108;
	_ =	swait.ge @!p0 [sflag:s8], $0x0  }
0x24: {  	s3 =	sadd.s32 $0x88, s3;
	s6 =	simm.s32 @!p1 $0x1082;
	[sflag:s4] =	ssyncset.s32 $0xFFFFF086  }
0x25: {  	[simem:s6], [sflag:s4] =	dma.local [hbm:s3], $0xF7A  }
0x26: {  	[smem:$0x3F9D] =	sst s1;
	(tag) =	ssettag s2;
	_ =	strace s9  }
0x27: {  	s1 =	sld [smem:$0x3FAD]  }
0x28: {  	s2 =	sld [smem:$0x3FAE]  }
0x29: {  	s4 =	sld [smem:$0x3FB0]  }
0x2a: {  	p0 =	seq.s32 s5, $0x0;
	s5 =	sld [smem:$0x3FB1]  }
0x2b: {  	s6 =	sld [smem:$0x3FB2]  }
0x2c: {  	s7 =	sld [smem:$0x3FB3]  }
0x2d: {  	s3 =	simm.s32 $0x108;
	s8 =	sld [smem:$0x3FB4]  }
0x2e: {  	s3 =	simm.s32 @!p0 $0x1082;
	s9 =	sld [smem:$0x3FB5]  }
0x2f: {  	lr =	sadd.s32 s0, s3;
	s0 =	sld [smem:$0x3FAC]  }
0x30: {  	s3 =	sld [smem:$0x3FAF]  }
0x31: {  	[smem:$0x3FB8] =	sst s10  }
0x32: {  	s10 =	sld [smem:$0x3FB6];
	_ =	sdelay $0x3  }
0x33: {  	p0 =	seq.s32 s10, $0x1;
	s10 =	sld [smem:$0x3FB8];
	_ =	sdelay $0x3  }
0x34: {  	[smem:$0x3FB8] =	sst s10  }
0x35: {  	s10 =	sld [smem:$0x3FB7];
	_ =	sdelay $0x3  }
0x36: {  	p1 =	seq.s32 s10, $0x1;
	s10 =	sld [smem:$0x3FB8];
	_ =	sdelay $0x3  }
0x37: {  	[smem:$0x3FB8] =	sst s10  }
0x38: {  	s10 =	sld [smem:$0x3FB9]  }
0x39: {  	_ = 	snop;
	(pc) =	sbr.ind lr, $3  }
0x3a: {  	_ = 	snop  }
0x3b: {  	_ = 	snop  }
0x3c: {  	p2 =	seq.s32 s10, $0x1;
	s10 =	sld [smem:$0x3FB8]  }
0x3d: {  	_ =	shalt  }
0x3e: {  	_ =	shalt  }
0x3f: {  	_ =	shalt  }
0x40: {  	_ =	shalt  }
0x41: {  	_ =	shalt  }
0x42: {  	_ =	shalt  }
0x43: {  	_ =	shalt  }
0x44: {  	_ =	shalt  }
0x45: {  	_ =	shalt  }
0x46: {  	_ =	shalt  }
0x47: {  	_ =	shalt  }
0x48: {  	_ =	shalt  }
0x49: {  	_ =	shalt  }
0x4a: {  	_ =	shalt  }
0x4b: {  	_ =	shalt  }
0x4c: {  	_ =	shalt  }
0x4d: {  	_ =	shalt  }
0x4e: {  	_ =	shalt  }
0x4f: {  	_ =	shalt  }
0x50: {  	_ =	shalt  }
0x51: {  	_ =	shalt  }
0x52: {  	_ =	shalt  }
0x53: {  	_ =	shalt  }
0x54: {  	_ =	shalt  }
0x55: {  	_ =	shalt  }
0x56: {  	_ =	shalt  }
0x57: {  	_ =	shalt  }
0x58: {  	_ =	shalt  }
0x59: {  	_ =	shalt  }
0x5a: {  	_ =	shalt  }
0x5b: {  	_ =	shalt  }
0x5c: {  	_ =	shalt  }
0x5d: {  	_ =	shalt  }
0x5e: {  	_ =	shalt  }
0x5f: {  	_ =	shalt  }
0x60: {  	_ =	shalt  }
0x61: {  	_ =	shalt  }
0x62: {  	_ =	shalt  }
0x63: {  	_ =	shalt  }
0x64: {  	_ =	shalt  }
0x65: {  	_ =	shalt  }
0x66: {  	_ =	shalt  }
0x67: {  	_ =	shalt  }
0x68: {  	_ =	shalt  }
0x69: {  	_ =	shalt  }
0x6a: {  	_ =	shalt  }
0x6b: {  	_ =	shalt  }
0x6c: {  	_ =	shalt  }
0x6d: {  	_ =	shalt  }
0x6e: {  	_ =	shalt  }
0x6f: {  	_ =	shalt  }
0x70: {  	_ =	shalt  }
0x71: {  	_ =	shalt  }
0x72: {  	_ =	shalt  }
0x73: {  	_ =	shalt  }
0x74: {  	_ =	shalt  }
0x75: {  	_ =	shalt  }
0x76: {  	_ =	shalt  }
0x77: {  	_ =	shalt  }
0x78: {  	_ =	shalt  }
0x79: {  	_ =	shalt  }
0x7a: {  	_ =	shalt  }
0x7b: {  	_ =	shalt  }
0x7c: {  	_ =	shalt  }
0x7d: {  	_ =	shalt  }
0x7e: {  	_ =	shalt  }
0x7f: {  	_ =	shalt  }
0x80: {  	_ =	shalt  }
0x81: {  	_ =	shalt  }
0x82: {  	_ =	shalt  }
0x83: {  	_ =	shalt  }
0x84: {  	_ =	shalt  }
0x85: {  	_ =	shalt  }
0x86: {  	_ =	shalt  }
0x87: {  	_ =	shalt  }
.Lfunc_end0:
.L_simem_size_0:
called_computation.1_lowered:
.L_overlay_start_0:
0x88: {  	s2 =	sld [smem:$0x3FD9]  }
0x89: {  	s3 =	sld [smem:$0x3FFE];
	_ =	sdelay $0x1  }
0x8a: {  	s1 =	srdreg.scid  }
0x8b: {  	s0 =	sand.u32 $0x1, s1  }
0x8c: {  	s17 =	sshll.u32 s0, $0xA;
	s2 =	sadd.s32 s3, s2  }
0x8d: {  	s2 =	sadd.s32 s2, s17  }
0x8e: {  	[smem:$0x3FC4] =	sst s2  }
0x8f: {  	_ = 	snop  }
0x90: {  	s2 =	sld [smem:$0x3FD0];
	(tm) =	ssettm $0x1  }
0x91: {  	s18 =	sld [smem:$0x3FFB];
	_ =	sdelay $0x3  }
0x92: {  	_ =	strace s18  }
0x93: {  	s3 =	sld [smem:$0x3FFC];
	_ =	sdelay $0x3  }
0x94: {  	_ =	strace s3  }
0x95: {  	s3 =	sld [smem:$0x3FFD];
	_ =	sdelay $0x3  }
0x96: {  	_ =	strace s3  }
0x97: {  	_ =	strace $0x8FFFFFFF  }
0x98: {  	s19 =	sld [smem:$0x3FDB];
	_ =	sdelay $0x1  }
0x99: {  	s4 =	simm.s32 $_scs_section_size  }
0x9a: {  	s5 =	simm.s32 $_size__tile_overlayer_lowered;
	s6 =	simm.s32 $_tile_overlayer_lowered  }
0x9b: {  	s22 =	simm.s32 $0x1BFF;
	s21 =	sshll.u32 s6, $0x1;
	s3 =	sadd.s32 s4, s19  }
0x9c: {  	s7 =	simm.s32 $0x0;
	s20 =	sshll.u32 s5, $0x1;
	s5 =	sadd.s32 s21, s3  }
0x9d: {  	[timem:s7], [sflag:s22] =	dma.local [hbm:s5], s20  }
0x9e: {  	_ =	swait.ge [sflag:s22], s20  }
0x9f: {  	s4 =	ssub.s32 $0x0, s20;
	[sflag:s22] =	ssyncset.done $0x0  }
0xa0: {  	[sflag:s22] =	ssyncadd.s32 s4;
	_ =	sdelay $0x1  }
0xa1: {  	s23 =	simm.s32 $0x1B8B  }
0xa2: {  	_ =	swait.ge [sflag:s23], $0x1  }
0xa3: {  	[sflag:s23] =	ssyncset.done $0x0  }
0xa4: {  	s25 =	simm.s32 $0x1B8E;
	s24 =	sld [smem:$0x3FFE];
	[sflag:s23] =	ssyncadd.s32 $0xFFFFFFFF  }
0xa5: {  	s26 =	simm.s32 $execute0_lowered;
	[smem:$0x3FD2] =	sst s25  }
0xa6: {  	s5 =	sshll.u32 s26, $0x1;
	_ =	strace $0x80000049;
	[dreg:$0x1] =	wrdreg $0xFFFFFFFF  }
0xa7: {  	s28 =	simm.s32 $_size_execute0_lowered;
	s3 =	sadd.s32 s3, s5;
	[dreg:$0x0] =	wrdreg $0x0  }
0xa8: {  	s5 =	sshll.u32 s28, $0x1;
	[dreg:$0x2] =	wrdreg s3  }
0xa9: {  	[dreg:$0x3] =	wrdreg s5  }
0xaa: {  	[dreg:$0x4] =	wrdreg $0xC0  }
0xab: {  	_ =	task [dreg:s7], $0x5FFFF  }
0xac: {  	[dreg:$0x1] =	wrdreg $0xFFFFFFFF  }
0xad: {  	[dreg:$0x0] =	wrdreg $0x60  }
0xae: {  	[dreg:$0x2] =	wrdreg s24  }
0xaf: {  	[dreg:$0x3] =	wrdreg s2  }
0xb0: {  	[dreg:$0x4] =	wrdreg $0xAA000  }
0xb1: {  	[dreg:$0x5] =	wrdreg $0x9  }
0xb2: {  	_ =	task.clear_ibuf [dreg:s7], $0x6FFFF;
	_ =	strace $0x90000049  }
0xb3: {  	s29 =	simm.s32 $0x9;
	_ =	strace $0x8000004B  }
0xb4: {  	_ =	swait.ge [sflag:s29], $0x1  }
0xb5: {  	[sflag:s29] =	ssyncadd.s32 $0xFFFFFFFF  }
0xb6: {  	_ =	strace $0x9000004B  }
0xb7: {  	_ =	sfence  }
0xb8: {  	s30 =	sld [smem:$0x0];
	_ =	sdelay $0x2  }
0xb9: {  	s31 =	sshll.u32 s1, $0xD;
	s1 =	sshrl.u32 s1, $0x2  }
0xba: {  	s3 =	sand.u32 $0x4000, s31;
	s1 =	sadd.s32 s1, s30  }
0xbb: {  	s0 =	sor.u32 s3, s0;
	s1 =	sshll.u32 s1, $0x11  }
0xbc: {  	s0 =	sor.u32 s1, s0  }
0xbd: {  	s0 =	sadd.s32 $0x8F2B, s0  }
0xbe: {  	[sflag:s0] =	ssyncadd.remote.s32 $0x1  }
0xbf: {  	_ =	sfence.sel $0xFFFF  }
0xc0: {  	[dreg:$0x0] =	wrdreg $0xFFFFFFFF;
	(pc) =	sbr.abs _section_cstart, $3  }
0xc1: {  	[dreg:$0x1] =	wrdreg $0xFFFFFFFF  }
0xc2: {  	_ =	task.clear_ibuf [dreg:s7], $0x2FFFF;
	_ =	strace $0x9FFFFFFF  }
0xc3: {  	(tm) =	ssettm $0x7FFFFFFF  }
tec
execute0_lowered:
.L_overlay_start_1:
0x0: {  	(tag) =	ssettag $0x1  }
0x1: {  	s5 =	rddreg [dreg:$0x0]  }
0x2: {  	s7 =	rddreg [dreg:$0x1];
	s0 =	srdreg.scid  }
0x3: {  	s2 =	rddreg [dreg:$0x2];
	s1 =	stileid.u32  }
0x4: {  	s3 =	simm.s32 $0x0;
	s14 =	simm.s32 $0x2A00;
	s15 =	simm.s32 $0x3  }
0x5: {  	s16 =	simm.s32 $0x80;
	s17 =	simm.s32 $0x2800;
	s18 =	simm.s32 $0x1  }
0x6: {  	s19 =	simm.s32 $0x2880;
	s20 =	simm.s32 $0x6A00;
	s21 =	simm.s32 $0x2900  }
0x7: {  	s23 =	sand.u32 $0x1, s0;
	s0 =	rddreg [dreg:$0x3];
	s8 =	smul.u32 $0x14000, s1  }
0x8: {  	s22 =	simm.s32 $0x2980;
	[smem:$0x7FF] =	sst s3;
	s9 =	smul.u32 $0x50000, s1  }
0x9: {  	s4 =	sadd.s32 $0x1800, s5;
	s28 =	sshll.u32 s1, $0x1;
	s6 =	smul.u32 $0x140000, s23  }
0xa: {  	_ =	strace $0x8000004A;
	s29 =	ssub.s32 $0x2, s23;
	s30 =	sor.u32 s23, s28  }
0xb: {  	p0 =	seq.s32 s23, $0x0;
	s11 =	smul.u32 $0x500, s30;
	s6 =	sadd.s32 s8, s6  }
0xc: {  	s31 =	sshrl.u32 s29, $0x1;
	s9 =	sshrl.u32 s9, $0x2;
	s6 =	sshrl.u32 s6, $0x3  }
0xd: {  	s12 =	ssub.s32 s29, s31;
	s7 =	sadd.s32 s7, s11;
	s10 =	sadd.s32 s6, s5  }
0xe: {  	s5 =	sor.u32 $0x4E, s23;
	s6 =	sadd.s32 s9, s2;
	s9 =	smax.u32 s12, $0x1  }
0xf: {  	s23 =	simm.s32 $0x0;
	s8 =	sadd.s32 $0x51800, s10;
	s10 =	sadd.s32 $0x4000, s6  }
0x10: {  	v0 =	vimm.f32 $0.0e+00;
	s11 =	sadd.s32 $0x8000, s6;
	s12 =	sadd.s32 $0xC000, s6;
	s13 =	sadd.s32 $0x10000, s6  }
.LBB2_1:
0x11: {  	s24 =	simm.s32 $0x0;
	s25 =	simm.s32 $0x200  }
.LBB2_2:
0x12: {  	p1 =	sne.s32 s25, $0xFE00;
	[tilespmem:s24+$0x2A70] =	vst v0  }
0x13: {  	[tilespmem:s24+$0x2A00] =	vst v0  }
0x14: {  	[tilespmem:s24+$0x2A10] =	vst v0  }
.Ltmp0:
0x15: {  	[tilespmem:s24+$0x2A20] =	vst v0;
	(pc) =	sbr.rel @p1 .LBB2_2-.Ltmp0, $4  }
0x16: {  	[tilespmem:s24+$0x2A30] =	vst v0  }
0x17: {  	[tilespmem:s24+$0x2A40] =	vst v0  }
0x18: {  	[tilespmem:s24+$0x2A50] =	vst v0  }
0x19: {  	[tilespmem:s24+$0x2A60] =	vst v0;
	s24 =	sshra.s32 s25, $0x2;
	s25 =	sadd.s32 $0x200, s25  }
0x1a: {  	[tilespmem:s24+$0x2A70] =	vst v0  }
0x1b: {  	[tilespmem:s24+$0x2A00] =	vst v0  }
0x1c: {  	[tilespmem:s24+$0x2A10] =	vst v0  }
0x1d: {  	[tilespmem:s24+$0x2A20] =	vst v0  }
0x1e: {  	[tilespmem:s24+$0x2A30] =	vst v0  }
0x1f: {  	[tilespmem:s24+$0x2A40] =	vst v0  }
0x20: {  	[tilespmem:s24+$0x2A50] =	vst v0  }
0x21: {  	[tilespmem:s24+$0x2A60] =	vst v0  }
0x22: {  	[spmem:s6] =	stream.linear.scatter [tilespmem:s14], [sflag:$0x3], $0x4000, $0x38;
	[tilespmem:$0x1EA00] =	vst v63  }
0x23: {  	_ =	swait.ge [sflag:s15], $0x4000  }
0x24: {  	[sflag:s15] =	ssyncset.done $0x0  }
0x25: {  	[sflag:s15] =	ssyncadd.s32 $0xFFFFC000  }
0x26: {  	[spmem:s10] =	stream.linear.scatter [tilespmem:s14], [sflag:$0x3], $0x4000, $0x38;
	[tilespmem:$0x1EA00] =	vst v63  }
0x27: {  	_ =	swait.ge [sflag:s15], $0x4000  }
0x28: {  	[sflag:s15] =	ssyncset.done $0x0  }
0x29: {  	[sflag:s15] =	ssyncadd.s32 $0xFFFFC000  }
0x2a: {  	[spmem:s11] =	stream.linear.scatter [tilespmem:s14], [sflag:$0x3], $0x4000, $0x38;
	[tilespmem:$0x1EA00] =	vst v63  }
0x2b: {  	_ =	swait.ge [sflag:s15], $0x4000  }
0x2c: {  	[sflag:s15] =	ssyncset.done $0x0  }
0x2d: {  	[sflag:s15] =	ssyncadd.s32 $0xFFFFC000  }
0x2e: {  	[spmem:s12] =	stream.linear.scatter [tilespmem:s14], [sflag:$0x3], $0x4000, $0x38;
	[tilespmem:$0x1EA00] =	vst v63  }
0x2f: {  	_ =	swait.ge [sflag:s15], $0x4000  }
0x30: {  	[sflag:s15] =	ssyncset.done $0x0  }
0x31: {  	[sflag:s15] =	ssyncadd.s32 $0xFFFFC000  }
0x32: {  	[spmem:s13] =	stream.linear.scatter [tilespmem:s14], [sflag:$0x3], $0x4000, $0x38;
	[tilespmem:$0x1EA00] =	vst v63  }
0x33: {  	_ =	swait.ge [sflag:s15], $0x4000  }
0x34: {  	[sflag:s15] =	ssyncset.done $0x0  }
0x35: {  	[sflag:s15] =	ssyncadd.s32 $0xFFFFC000  }
0x36: {  	[bflag:$0x0] =	sbarrier.arrive $0xFFFF  }
0x37: {  	[tilespmem:s3], [sflag:$0x3] =	stream.linear.gather [hbm4b:s7+s3], $0x2780, $0x38;
	[tilespmem:$0x1EA00] =	vst v63  }
0x38: {  	_ =	swait.ge [sflag:s15], $0x2780  }
0x39: {  	[sflag:s15] =	ssyncset.done $0x0  }
0x3a: {  	[sflag:s15] =	ssyncadd.s32 $0xFFFFD880  }
0x3b: {  	v1 =	vld [tilespmem:$0x0];
	_ =	sdelay $0x1  }
0x3c: {  	v2 =	vld [tilespmem:$0x10];
	_ =	sdelay $0x1  }
0x3d: {  	v3 =	vld [tilespmem:$0x20]  }
0x3e: {  	v4 =	vand.u32 $0xFFFF, v1  }
0x3f: {  	v62 =	vld [tilespmem:$0x30];
	v1 =	vshrl.u32 v1, $0x10;
	[tilespmem:$0x2800] =	vst v4  }
0x40: {  	[tilespmem:$0x2900] =	vst v1;
	v1 =	vand.u32 $0xFFFF, v2  }
0x41: {  	[tilespmem:$0x2810] =	vst v1;
	v1 =	vshrl.u32 v2, $0x10;
	v2 =	vld [tilespmem:$0x40]  }
0x42: {  	[tilespmem:$0x2910] =	vst v1;
	v1 =	vand.u32 $0xFFFF, v3  }
0x43: {  	[tilespmem:$0x2820] =	vst v1;
	v1 =	vshrl.u32 v3, $0x10;
	v3 =	vld [tilespmem:$0x50]  }
0x44: {  	[tilespmem:$0x2920] =	vst v1;
	v1 =	vand.u32 $0xFFFF, v62  }
0x45: {  	v63 =	vld [tilespmem:$0x60];
	[tilespmem:$0x2830] =	vst v1;
	v1 =	vshrl.u32 v62, $0x10  }
0x46: {  	[tilespmem:$0x2930] =	vst v1;
	v1 =	vand.u32 $0xFFFF, v2  }
0x47: {  	[tilespmem:$0x2840] =	vst v1;
	v1 =	vshrl.u32 v2, $0x10;
	v2 =	vld [tilespmem:$0x70]  }
0x48: {  	[tilespmem:$0x2940] =	vst v1;
	v1 =	vand.u32 $0xFFFF, v3  }
0x49: {  	[tilespmem:$0x2850] =	vst v1;
	v1 =	vshrl.u32 v3, $0x10  }
0x4a: {  	[tilespmem:$0x2950] =	vst v1;
	v1 =	vand.u32 $0xFFFF, v63  }
0x4b: {  	[tilespmem:$0x2860] =	vst v1;
	v1 =	vshrl.u32 v63, $0x10  }
0x4c: {  	[tilespmem:$0x2960] =	vst v1;
	v1 =	vand.u32 $0xFFFF, v2  }
0x4d: {  	[tilespmem:$0x2870] =	vst v1;
	v1 =	vshrl.u32 v2, $0x10  }
0x4e: {  	s24 =	simm.s32 $0xC0;
	[tilespmem:$0x2970] =	vst v1  }
0x4f: {  	[tilespmem:s14], [sflag:$0x1] =	stream.indirect.gather [hbm4b:s4+s16], $0x80, s17, s16, $0xb8;
	[tilespmem:$0x1EA00] =	vst v63  }
0x50: {  	v1 =	vld [tilespmem:s24+$0xFFFFFFC0];
	_ =	sdelay $0x4  }
0x51: {  	v2 =	vand.u32 $0xFFFF, v1  }
0x52: {  	v1 =	vshrl.u32 v1, $0x10;
	[tilespmem:$0x2880] =	vst v2  }
0x53: {  	[tilespmem:$0x2980] =	vst v1  }
0x54: {  	v1 =	vld [tilespmem:s24+$0xFFFFFFD0];
	_ =	sdelay $0x4  }
0x55: {  	v2 =	vand.u32 $0xFFFF, v1  }
0x56: {  	v1 =	vshrl.u32 v1, $0x10;
	[tilespmem:$0x2890] =	vst v2  }
0x57: {  	[tilespmem:$0x2990] =	vst v1  }
0x58: {  	v1 =	vld [tilespmem:s24+$0xFFFFFFE0];
	_ =	sdelay $0x4  }
0x59: {  	v2 =	vand.u32 $0xFFFF, v1  }
0x5a: {  	v1 =	vshrl.u32 v1, $0x10;
	[tilespmem:$0x28A0] =	vst v2  }
0x5b: {  	[tilespmem:$0x29A0] =	vst v1  }
0x5c: {  	v1 =	vld [tilespmem:s24+$0xFFFFFFF0];
	_ =	sdelay $0x4  }
0x5d: {  	v2 =	vand.u32 $0xFFFF, v1  }
0x5e: {  	v1 =	vshrl.u32 v1, $0x10;
	[tilespmem:$0x28B0] =	vst v2  }
0x5f: {  	[tilespmem:$0x29B0] =	vst v1  }
0x60: {  	v1 =	vld [tilespmem:s24+$0x0];
	_ =	sdelay $0x4  }
0x61: {  	v2 =	vand.u32 $0xFFFF, v1  }
0x62: {  	v1 =	vshrl.u32 v1, $0x10;
	[tilespmem:$0x28C0] =	vst v2  }
0x63: {  	[tilespmem:$0x29C0] =	vst v1  }
0x64: {  	v1 =	vld [tilespmem:s24+$0x10];
	_ =	sdelay $0x4  }
0x65: {  	v2 =	vand.u32 $0xFFFF, v1  }
0x66: {  	v1 =	vshrl.u32 v1, $0x10;
	[tilespmem:$0x28D0] =	vst v2  }
0x67: {  	[tilespmem:$0x29D0] =	vst v1  }
0x68: {  	v1 =	vld [tilespmem:s24+$0x20];
	_ =	sdelay $0x4  }
0x69: {  	v2 =	vand.u32 $0xFFFF, v1  }
0x6a: {  	v1 =	vshrl.u32 v1, $0x10;
	[tilespmem:$0x28E0] =	vst v2  }
0x6b: {  	[tilespmem:$0x29E0] =	vst v1  }
0x6c: {  	v1 =	vld [tilespmem:s24+$0x30];
	_ =	sdelay $0x4  }
0x6d: {  	v2 =	vand.u32 $0xFFFF, v1  }
0x6e: {  	v1 =	vshrl.u32 v1, $0x10;
	[tilespmem:$0x28F0] =	vst v2  }
0x6f: {  	[tilespmem:$0x29F0] =	vst v1  }
0x70: {  	_ =	swait.ge [sflag:s18], $0x4000  }
0x71: {  	[sflag:s18] =	ssyncset.done $0x0  }
0x72: {  	[sflag:s18] =	ssyncadd.s32 $0xFFFFC000  }
0x73: {  	[tilespmem:s20], [sflag:$0x2] =	stream.indirect.gather [hbm4b:s4+s16], $0x80, s19, s16, $0xb8;
	[tilespmem:$0x1EA00] =	vst v63  }
0x74: {  	_ = 	snop  }
0x75: {  	[spmem:s2] =	stream.indirect.scatter.add.f32 [tilespmem:s14], [sflag:$0x3], $0x80, s21, s16, $0xb8;
	[tilespmem:$0x1EA00] =	vst v63  }
0x76: {  	_ =	swait.ge [sflag:s15], $0x4000  }
0x77: {  	p2 =	sle.u32 s5, $0x2;
	[sflag:s15] =	ssyncset.done $0x0  }
0x78: {  	s25 =	simm.s32 @p2 $0x2;
	[sflag:s15] =	ssyncadd.s32 $0xFFFFC000  }
0x79: {  	_ =	swait.ge @p2 [sflag:s25], $0x4000  }
0x7a: {  	[sflag:s25] =	ssyncset.done @p2 $0x0  }
0x7b: {  	[sflag:s25] =	ssyncadd.s32 @p2 $0xFFFFC000  }
0x7c: {  	v1 =	vld @!p2 [tilespmem:s24+$0x40];
	_ =	sdelay $0x4  }
0x7d: {  	v2 =	vand.u32 @!p2 $0xFFFF, v1  }
0x7e: {  	v1 =	vshrl.u32 @!p2 v1, $0x10;
	[tilespmem:$0x2800] =	vst @!p2 v2  }
0x7f: {  	[tilespmem:$0x2900] =	vst @!p2 v1  }
0x80: {  	v1 =	vld @!p2 [tilespmem:s24+$0x50];
	_ =	sdelay $0x4  }
0x81: {  	v2 =	vand.u32 @!p2 $0xFFFF, v1  }
0x82: {  	v1 =	vshrl.u32 @!p2 v1, $0x10;
	[tilespmem:$0x2810] =	vst @!p2 v2  }
0x83: {  	[tilespmem:$0x2910] =	vst @!p2 v1  }
0x84: {  	v1 =	vld @!p2 [tilespmem:s24+$0x60];
	_ =	sdelay $0x4  }
0x85: {  	v2 =	vand.u32 @!p2 $0xFFFF, v1  }
0x86: {  	v1 =	vshrl.u32 @!p2 v1, $0x10;
	[tilespmem:$0x2820] =	vst @!p2 v2  }
0x87: {  	[tilespmem:$0x2920] =	vst @!p2 v1  }
0x88: {  	v1 =	vld @!p2 [tilespmem:s24+$0x70];
	_ =	sdelay $0x4  }
0x89: {  	v2 =	vand.u32 @!p2 $0xFFFF, v1  }
0x8a: {  	v1 =	vshrl.u32 @!p2 v1, $0x10;
	[tilespmem:$0x2830] =	vst @!p2 v2  }
0x8b: {  	[tilespmem:$0x2930] =	vst @!p2 v1  }
0x8c: {  	v1 =	vld @!p2 [tilespmem:s24+$0x80];
	_ =	sdelay $0x4  }
0x8d: {  	v2 =	vand.u32 @!p2 $0xFFFF, v1  }
0x8e: {  	v1 =	vshrl.u32 @!p2 v1, $0x10;
	[tilespmem:$0x2840] =	vst @!p2 v2  }
0x8f: {  	[tilespmem:$0x2940] =	vst @!p2 v1  }
0x90: {  	v1 =	vld @!p2 [tilespmem:s24+$0x90];
	_ =	sdelay $0x4  }
0x91: {  	v2 =	vand.u32 @!p2 $0xFFFF, v1  }
0x92: {  	v1 =	vshrl.u32 @!p2 v1, $0x10;
	[tilespmem:$0x2850] =	vst @!p2 v2  }
0x93: {  	[tilespmem:$0x2950] =	vst @!p2 v1  }
0x94: {  	v1 =	vld @!p2 [tilespmem:s24+$0xA0];
	_ =	sdelay $0x4  }
0x95: {  	v2 =	vand.u32 @!p2 $0xFFFF, v1  }
0x96: {  	s28 =	simm.s32 @!p2 $0x2;
	s29 =	simm.s32 @!p2 $0x80;
	v1 =	vshrl.u32 @!p2 v1, $0x10;
	[tilespmem:$0x2860] =	vst @!p2 v2  }
0x97: {  	s30 =	simm.s32 @!p2 $0x2800;
	s31 =	simm.s32 @!p2 $0x2A00;
	s25 =	simm.s32 $0x4;
	[tilespmem:$0x2960] =	vst @!p2 v1  }
.LBB2_4:
0x98: {  	v1 =	vld @!p2 [tilespmem:s24+$0xB0];
	s24 =	sadd.s32 $0x100, s24;
	s26 =	smov.u32 s25;
	s25 =	sadd.s32 $0x2, s25  }
0x99: {  	p1 =	sne.s32 s25, $0x50;
	_ =	sdelay $0x3  }
0x9a: {  	v2 =	vand.u32 @!p2 $0xFFFF, v1;
	v1 =	vshrl.u32 @!p2 v1, $0x10  }
0x9b: {  	[tilespmem:$0x2870] =	vst @!p2 v2  }
0x9c: {  	[tilespmem:$0x2970] =	vst @!p2 v1  }
0x9d: {  	_ =	swait.ge @!p2 [sflag:s28], $0x4000  }
0x9e: {  	[sflag:s28] =	ssyncset.done @!p2 $0x0  }
0x9f: {  	[sflag:s28] =	ssyncadd.s32 @!p2 $0xFFFFC000  }
0xa0: {  	[tilespmem:s31], [sflag:$0x1] =	stream.indirect.gather @!p2 [hbm4b:s4+s29], $0x80, s30, s29, $0xb8;
	[tilespmem:$0x1EA00] =	vst v63  }
0xa1: {  	_ = 	snop  }
0xa2: {  	[spmem:s2] =	stream.indirect.scatter.add.f32 [tilespmem:s20], [sflag:$0x3], $0x80, s22, s16, $0xb8;
	[tilespmem:$0x1EA00] =	vst v63  }
0xa3: {  	_ =	swait.ge [sflag:s15], $0x4000  }
0xa4: {  	[sflag:s15] =	ssyncset.done $0x0  }
0xa5: {  	[sflag:s15] =	ssyncadd.s32 $0xFFFFC000  }
0xa6: {  	v1 =	vld [tilespmem:s24+$0xFFFFFFC0];
	_ =	sdelay $0x4  }
0xa7: {  	v2 =	vand.u32 $0xFFFF, v1;
	v1 =	vshrl.u32 v1, $0x10  }
0xa8: {  	[tilespmem:$0x2880] =	vst v2  }
0xa9: {  	[tilespmem:$0x2980] =	vst v1  }
0xaa: {  	v1 =	vld [tilespmem:s24+$0xFFFFFFD0];
	_ =	sdelay $0x4  }
0xab: {  	v2 =	vand.u32 $0xFFFF, v1;
	v1 =	vshrl.u32 v1, $0x10  }
0xac: {  	[tilespmem:$0x2890] =	vst v2  }
0xad: {  	[tilespmem:$0x2990] =	vst v1  }
0xae: {  	v1 =	vld [tilespmem:s24+$0xFFFFFFE0];
	_ =	sdelay $0x4  }
0xaf: {  	v2 =	vand.u32 $0xFFFF, v1;
	v1 =	vshrl.u32 v1, $0x10  }
0xb0: {  	[tilespmem:$0x28A0] =	vst v2  }
0xb1: {  	[tilespmem:$0x29A0] =	vst v1  }
0xb2: {  	v1 =	vld [tilespmem:s24+$0xFFFFFFF0];
	_ =	sdelay $0x4  }
0xb3: {  	v2 =	vand.u32 $0xFFFF, v1;
	v1 =	vshrl.u32 v1, $0x10  }
0xb4: {  	[tilespmem:$0x28B0] =	vst v2  }
0xb5: {  	[tilespmem:$0x29B0] =	vst v1  }
0xb6: {  	v1 =	vld [tilespmem:s24+$0x0];
	_ =	sdelay $0x4  }
0xb7: {  	v2 =	vand.u32 $0xFFFF, v1;
	v1 =	vshrl.u32 v1, $0x10  }
0xb8: {  	[tilespmem:$0x28C0] =	vst v2  }
0xb9: {  	[tilespmem:$0x29C0] =	vst v1  }
0xba: {  	v1 =	vld [tilespmem:s24+$0x10];
	_ =	sdelay $0x4  }
0xbb: {  	v2 =	vand.u32 $0xFFFF, v1;
	v1 =	vshrl.u32 v1, $0x10  }
0xbc: {  	[tilespmem:$0x28D0] =	vst v2  }
0xbd: {  	[tilespmem:$0x29D0] =	vst v1  }
0xbe: {  	v1 =	vld [tilespmem:s24+$0x20];
	_ =	sdelay $0x4  }
0xbf: {  	v2 =	vand.u32 $0xFFFF, v1;
	v1 =	vshrl.u32 v1, $0x10  }
0xc0: {  	[tilespmem:$0x28E0] =	vst v2  }
0xc1: {  	[tilespmem:$0x29E0] =	vst v1  }
0xc2: {  	v1 =	vld [tilespmem:s24+$0x30];
	_ =	sdelay $0x4  }
0xc3: {  	v2 =	vand.u32 $0xFFFF, v1;
	v1 =	vshrl.u32 v1, $0x10  }
0xc4: {  	[tilespmem:$0x28F0] =	vst v2  }
0xc5: {  	p2 =	sge.u32 s26, s5;
	[tilespmem:$0x29F0] =	vst v1  }
0xc6: {  	s26 =	simm.s32 @p2 $0x2;
	_ =	swait.ge [sflag:s18], $0x4000  }
0xc7: {  	[sflag:s18] =	ssyncset.done $0x0  }
0xc8: {  	[sflag:s18] =	ssyncadd.s32 $0xFFFFC000  }
0xc9: {  	[tilespmem:s20], [sflag:$0x2] =	stream.indirect.gather [hbm4b:s4+s16], $0x80, s19, s16, $0xb8;
	[tilespmem:$0x1EA00] =	vst v63  }
0xca: {  	_ = 	snop  }
0xcb: {  	[spmem:s2] =	stream.indirect.scatter.add.f32 [tilespmem:s14], [sflag:$0x3], $0x80, s21, s16, $0xb8;
	[tilespmem:$0x1EA00] =	vst v63  }
0xcc: {  	_ =	swait.ge [sflag:s15], $0x4000  }
0xcd: {  	[sflag:s15] =	ssyncset.done $0x0  }
0xce: {  	[sflag:s15] =	ssyncadd.s32 $0xFFFFC000  }
0xcf: {  	_ =	swait.ge @p2 [sflag:s26], $0x4000  }
0xd0: {  	[sflag:s26] =	ssyncset.done @p2 $0x0  }
0xd1: {  	[sflag:s26] =	ssyncadd.s32 @p2 $0xFFFFC000  }
0xd2: {  	v1 =	vld @!p2 [tilespmem:s24+$0x40];
	_ =	sdelay $0x4  }
0xd3: {  	v2 =	vand.u32 @!p2 $0xFFFF, v1;
	v1 =	vshrl.u32 @!p2 v1, $0x10  }
0xd4: {  	[tilespmem:$0x2800] =	vst @!p2 v2  }
0xd5: {  	[tilespmem:$0x2900] =	vst @!p2 v1  }
0xd6: {  	v1 =	vld @!p2 [tilespmem:s24+$0x50];
	_ =	sdelay $0x4  }
0xd7: {  	v2 =	vand.u32 @!p2 $0xFFFF, v1;
	v1 =	vshrl.u32 @!p2 v1, $0x10  }
0xd8: {  	[tilespmem:$0x2810] =	vst @!p2 v2  }
0xd9: {  	[tilespmem:$0x2910] =	vst @!p2 v1  }
0xda: {  	v1 =	vld @!p2 [tilespmem:s24+$0x60];
	_ =	sdelay $0x4  }
0xdb: {  	v2 =	vand.u32 @!p2 $0xFFFF, v1;
	v1 =	vshrl.u32 @!p2 v1, $0x10  }
0xdc: {  	[tilespmem:$0x2820] =	vst @!p2 v2  }
0xdd: {  	[tilespmem:$0x2920] =	vst @!p2 v1  }
0xde: {  	v1 =	vld @!p2 [tilespmem:s24+$0x70];
	_ =	sdelay $0x4  }
0xdf: {  	v2 =	vand.u32 @!p2 $0xFFFF, v1;
	v1 =	vshrl.u32 @!p2 v1, $0x10  }
0xe0: {  	[tilespmem:$0x2830] =	vst @!p2 v2  }
0xe1: {  	[tilespmem:$0x2930] =	vst @!p2 v1  }
0xe2: {  	v1 =	vld @!p2 [tilespmem:s24+$0x80];
	_ =	sdelay $0x4  }
0xe3: {  	v2 =	vand.u32 @!p2 $0xFFFF, v1;
	v1 =	vshrl.u32 @!p2 v1, $0x10  }
0xe4: {  	[tilespmem:$0x2840] =	vst @!p2 v2  }
0xe5: {  	[tilespmem:$0x2940] =	vst @!p2 v1  }
0xe6: {  	v1 =	vld @!p2 [tilespmem:s24+$0x90];
	_ =	sdelay $0x4  }
0xe7: {  	v2 =	vand.u32 @!p2 $0xFFFF, v1;
	v1 =	vshrl.u32 @!p2 v1, $0x10  }
0xe8: {  	[tilespmem:$0x2850] =	vst @!p2 v2  }
0xe9: {  	s28 =	simm.s32 @!p2 $0x2;
	[tilespmem:$0x2950] =	vst @!p2 v1  }
0xea: {  	v1 =	vld @!p2 [tilespmem:s24+$0xA0];
	_ =	sdelay $0x1  }
0xeb: {  	s29 =	simm.s32 @!p2 $0x80;
	s30 =	simm.s32 @!p2 $0x2800;
	s31 =	simm.s32 @!p2 $0x2A00  }
.Ltmp1:
0xec: {  	(pc) =	sbr.rel @p1 .LBB2_4-.Ltmp1, $4  }
0xed: {  	_ = 	snop  }
0xee: {  	v2 =	vand.u32 @!p2 $0xFFFF, v1;
	v1 =	vshrl.u32 @!p2 v1, $0x10  }
0xef: {  	[tilespmem:$0x2860] =	vst @!p2 v2  }
0xf0: {  	[tilespmem:$0x2960] =	vst @!p2 v1  }
0xf1: {  	v1 =	vld @!p2 [tilespmem:s24+$0xB0];
	_ =	sdelay $0x4  }
0xf2: {  	v2 =	vand.u32 @!p2 $0xFFFF, v1  }
0xf3: {  	v1 =	vshrl.u32 @!p2 v1, $0x10;
	[tilespmem:$0x2870] =	vst @!p2 v2  }
0xf4: {  	[tilespmem:$0x2970] =	vst @!p2 v1  }
0xf5: {  	_ =	swait.ge @!p2 [sflag:s28], $0x4000  }
0xf6: {  	[sflag:s28] =	ssyncset.done @!p2 $0x0  }
0xf7: {  	[sflag:s28] =	ssyncadd.s32 @!p2 $0xFFFFC000  }
0xf8: {  	[tilespmem:s31], [sflag:$0x1] =	stream.indirect.gather @!p2 [hbm4b:s4+s29], $0x80, s30, s29, $0xb8;
	[tilespmem:$0x1EA00] =	vst v63  }
0xf9: {  	_ = 	snop  }
0xfa: {  	[spmem:s2] =	stream.indirect.scatter.add.f32 [tilespmem:s20], [sflag:$0x3], $0x80, s22, s16, $0xb8;
	[tilespmem:$0x1EA00] =	vst v63  }
0xfb: {  	_ =	swait.ge [sflag:s15], $0x4000  }
0xfc: {  	[sflag:s15] =	ssyncset.done $0x0  }
0xfd: {  	s24 =	simm.s32 @!p0 $0x1;
	[sflag:s15] =	ssyncadd.s32 $0xFFFFC000  }
0xfe: {  	_ =	swait.ge @!p0 [sflag:s24], $0x4000  }
0xff: {  	s25 =	simm.s32 @!p0 $0x2900;
	[sflag:s24] =	ssyncset.done @!p0 $0x0  }
0x100: {  	s26 =	simm.s32 @!p0 $0x2A00;
	[sflag:s24] =	ssyncadd.s32 @!p0 $0xFFFFC000;
	s24 =	simm.s32 @!p0 $0x80  }
0x101: {  	[spmem:s2] =	stream.indirect.scatter.add.f32 @!p0 [tilespmem:s26], [sflag:$0x3], $0x80, s25, s24, $0xb8;
	[tilespmem:$0x1EA00] =	vst v63  }
0x102: {  	s24 =	simm.s32 @!p0 $0x3  }
0x103: {  	s23 =	sadd.s32 $0x1, s23;
	_ =	swait.ge @!p0 [sflag:s24], $0x4000  }
0x104: {  	p1 =	sne.s32 s23, s9;
	[sflag:s24] =	ssyncset.done @!p0 $0x0  }
0x105: {  	s30 =	sshll.u32 s1, $0x6;
	s31 =	sshrl.u32 s6, $0x3;
	[sflag:s24] =	ssyncadd.s32 @!p0 $0xFFFFC000  }
.Ltmp2:
0x106: {  	s24 =	sor.u32 $0x1C03, s30;
	[bflag:$0x0] =	sbarrier.arrive $0xFFFF;
	(pc) =	sbr.rel @p1 .LBB2_1-.Ltmp2, $4  }
0x107: {  	[hbm:s8], [sflag:s24] =	dma.local [spmem:s31], $0x2800  }
0x108: {  	_ =	swait.ge [sflag:s15], $0x2800  }
0x109: {  	[sflag:s15] =	ssyncset.done $0x0  }
0x10a: {  	[sflag:s15] =	ssyncadd.s32 $0xFFFFD800  }
0x10b: {  	_ =	sfence.sel $0x180000  }
0x10c: {  	[bflag:$0x0] =	sbarrier.arrive $0xFFFF  }
0x10d: {  	p0 =	sne.s32 s1, $0x0;
	_ =	strace $0x9000004A  }
0x10e: {  	s0 =	sadd.s32 @!p0 $0x100000, s0;
	[bflag:$0x2] =	sbarrier.arrive $0xFFFF  }
0x10f: {  	[sflag:s0] =	ssyncadd.tile.s32 @!p0 $0x1;
	_ =	shalt  }
.Lfunc_end2:
_tile_overlayer_lowered:
.L_overlay_start_2:
0x110: {  	(tag) =	ssettag $0x2  }
0x111: {  	s0 =	rddreg [dreg:$0x0];
	s2 =	stileid.u32  }
0x112: {  	s1 =	rddreg [dreg:$0x1];
	p0 =	sne.s32 s2, $0x0  }
0x113: {  	s3 =	rddreg [dreg:$0x2];
	[bflag:$0x3] =	sbarrier.arrive $0xFFFF;
	s2 =	simm.s32 @!p0 $0x1C03  }
0x114: {  	[timem:s3], [sflag:s2] =	dma.local @!p0 [hbm:s0], s1  }
0x115: {  	s0 =	simm.s32 @!p0 $0x3  }
0x116: {  	_ =	swait.ge @!p0 [sflag:s0], s1  }
0x117: {  	s1 =	ssub.s32 @!p0 $0x0, s1;
	[sflag:s0] =	ssyncset.done @!p0 $0x0  }
0x118: {  	[sflag:s0] =	ssyncadd.s32 @!p0 s1  }
0x119: {  	[bflag:$0x3] =	sbarrier.arrive $0xFFFF  }
0x11a: {  	_ =	shalt  }

</sc_bundles>
